<compile_context>
chip_gen: v7x
topology: tpu7x:2x2x1
jax: 0.10.2.dev20260603
libtpu: 0.0.44.dev20260713+nightly
codegen_flags: <defaults>
</compile_context>

<pallas_src>
import functools

import jax
import jax.numpy as jnp
from jax import lax
from jax.experimental import pallas as pl
from jax.experimental.pallas import tpu as pltpu
from jax.experimental.pallas import tpu_sc as plsc

N_NODES = 10000
N_EDGES = 320000
D_IN = 128
D_HID = 64
D_OUT = 128

NC = 2
NS = 16
NW = NC * NS
EPT = N_EDGES // NW
CH = 80
NCHUNK = EPT // CH
N_PAD = 10240
RPS = N_PAD // NS

_mesh = plsc.VectorSubcoreMesh(core_axis_name="c", subcore_axis_name="s")


@functools.partial(
    pl.kernel,
    mesh=_mesh,
    compiler_params=pltpu.CompilerParams(use_tc_tiling_on_sc=False),
    out_type=jax.ShapeDtypeStruct((NC, N_PAD, 16), jnp.float32),
    scratch_types=[
        pltpu.VMEM((CH, 16), jnp.float32),
        pltpu.VMEM((1, CH), jnp.int32),
        pltpu.VMEM_SHARED((N_PAD, 16), jnp.float32),
    ],
)
def _sc_degree(ones_hbm, zeros_hbm, dst_hbm, out_hbm, ones_v, idx_d, acc):
    cid = lax.axis_index("c")
    sid = lax.axis_index("s")
    r0 = sid * RPS
    pltpu.sync_copy(zeros_hbm.at[pl.ds(r0, RPS)], acc.at[pl.ds(r0, RPS)])
    pltpu.sync_copy(ones_hbm, ones_v)
    plsc.subcore_barrier()
    base = (cid * NS + sid) * EPT

    def body(j, carry):
        off = pl.multiple_of(base + j * CH, 8)
        pltpu.sync_copy(dst_hbm.at[pl.ds(off, CH)], idx_d.at[0])
        pltpu.sync_copy(ones_v, acc.at[idx_d.at[0]], add=True)
        return carry

    lax.fori_loop(0, NCHUNK, body, 0)
    plsc.subcore_barrier()
    pltpu.sync_copy(acc.at[pl.ds(r0, RPS)], out_hbm.at[cid, pl.ds(r0, RPS)])


@functools.partial(
    pl.kernel,
    mesh=_mesh,
    compiler_params=pltpu.CompilerParams(use_tc_tiling_on_sc=False),
    out_type=jax.ShapeDtypeStruct((NC, N_PAD, D_HID), jnp.float32),
    scratch_types=[
        pltpu.VMEM((CH,), jnp.int32),
        pltpu.VMEM((1, CH), jnp.int32),
        pltpu.VMEM((CH, D_HID), jnp.float32),
        pltpu.VMEM_SHARED((N_PAD, D_HID), jnp.float32),
        pltpu.SemaphoreType.DMA,
    ],
)
def _sc_aggregate(g_hbm, zeros_hbm, src_hbm, dst_hbm, out_hbm,
                  idx_s, idx_d, rows, acc, sem):
    cid = lax.axis_index("c")
    sid = lax.axis_index("s")
    r0 = sid * RPS
    pltpu.sync_copy(zeros_hbm.at[pl.ds(r0, RPS)], acc.at[pl.ds(r0, RPS)])
    plsc.subcore_barrier()
    base = (cid * NS + sid) * EPT

    def body(j, carry):
        off = pl.multiple_of(base + j * CH, 8)
        pltpu.sync_copy(src_hbm.at[pl.ds(off, CH)], idx_s)
        pltpu.async_copy(g_hbm.at[idx_s], rows, sem).wait()
        pltpu.sync_copy(dst_hbm.at[pl.ds(off, CH)], idx_d.at[0])
        pltpu.sync_copy(rows, acc.at[idx_d.at[0]], add=True)
        return carry

    lax.fori_loop(0, NCHUNK, body, 0)
    plsc.subcore_barrier()
    pltpu.sync_copy(acc.at[pl.ds(r0, RPS)], out_hbm.at[cid, pl.ds(r0, RPS)])


_BLK = 2000


def _s_col(degp_ref):
    deg = degp_ref[0, :, 0:1] + degp_ref[1, :, 0:1] + 1.0
    return lax.rsqrt(deg)


def _tc1_body(x_ref, w1_ref, degp_ref, g1_ref):
    s = _s_col(degp_ref)
    h = jnp.dot(x_ref[...], w1_ref[...], preferred_element_type=jnp.float32)
    g1_ref[...] = h * s


def _tc2_body(a_ref, g1_ref, degp_ref, b1_ref, g2_ref):
    s = _s_col(degp_ref)
    t = (a_ref[0] + a_ref[1] + g1_ref[...]) * s + b1_ref[...]
    g2_ref[...] = jnp.maximum(t, 0.0) * s


def _tc3_body(a_ref, g2_ref, degp_ref, w2_ref, b2_ref, out_ref):
    s = _s_col(degp_ref)
    t = (a_ref[0] + a_ref[1] + g2_ref[...]) * s
    out_ref[...] = (
        jnp.dot(t, w2_ref[...], preferred_element_type=jnp.float32) + b2_ref[...]
    )


def _degp_spec():
    return pl.BlockSpec((NC, _BLK, 16), lambda i: (0, i, 0))


def _aggp_spec():
    return pl.BlockSpec((NC, _BLK, D_HID), lambda i: (0, i, 0))


_tc1 = pl.pallas_call(
    _tc1_body,
    grid=(N_NODES // _BLK,),
    in_specs=[
        pl.BlockSpec((_BLK, D_IN), lambda i: (i, 0)),
        pl.BlockSpec((D_IN, D_HID), lambda i: (0, 0)),
        _degp_spec(),
    ],
    out_specs=pl.BlockSpec((_BLK, D_HID), lambda i: (i, 0)),
    out_shape=jax.ShapeDtypeStruct((N_NODES, D_HID), jnp.float32),
)

_tc2 = pl.pallas_call(
    _tc2_body,
    grid=(N_NODES // _BLK,),
    in_specs=[
        _aggp_spec(),
        pl.BlockSpec((_BLK, D_HID), lambda i: (i, 0)),
        _degp_spec(),
        pl.BlockSpec((1, D_HID), lambda i: (0, 0)),
    ],
    out_specs=pl.BlockSpec((_BLK, D_HID), lambda i: (i, 0)),
    out_shape=jax.ShapeDtypeStruct((N_NODES, D_HID), jnp.float32),
)

_tc3 = pl.pallas_call(
    _tc3_body,
    grid=(N_NODES // _BLK,),
    in_specs=[
        _aggp_spec(),
        pl.BlockSpec((_BLK, D_HID), lambda i: (i, 0)),
        _degp_spec(),
        pl.BlockSpec((D_HID, D_OUT), lambda i: (0, 0)),
        pl.BlockSpec((1, D_OUT), lambda i: (0, 0)),
    ],
    out_specs=pl.BlockSpec((_BLK, D_OUT), lambda i: (i, 0)),
    out_shape=jax.ShapeDtypeStruct((N_NODES, D_OUT), jnp.float32),
)


def kernel(x, edge_index, W1, b1, W2, b2):
    src = edge_index[0].astype(jnp.int32)
    dst = edge_index[1].astype(jnp.int32)
    ones16 = jnp.ones((CH, 16), jnp.float32)
    zeros16 = jnp.zeros((N_PAD, 16), jnp.float32)
    zeros64 = jnp.zeros((N_PAD, D_HID), jnp.float32)

    degp = _sc_degree(ones16, zeros16, dst)[:, :N_NODES]
    g1 = _tc1(x, W1, degp)
    aggp1 = _sc_aggregate(g1, zeros64, src, dst)[:, :N_NODES]
    g2 = _tc2(aggp1, g1, degp, b1.reshape(1, D_HID))
    aggp2 = _sc_aggregate(g2, zeros64, src, dst)[:, :N_NODES]
    return _tc3(aggp2, g2, degp, W2, b2.reshape(1, D_OUT))

# --- scband reference (transcript-rebuilt; emitter-appended) ---
"""Pipeline reference for scband-graph-based-model-77017353552223 (READ-ONLY COPY).

The authoritative reference and input builder live on the scoring server;
editing this copy changes nothing except your own understanding.
"""

import jax, jax.numpy as jnp
import numpy as np

N_NODES = 10000
N_EDGES = 320000
D_IN = 128
D_HID = 64
D_OUT = 128


def setup_inputs(seed: int = 0) -> dict:
    key = jax.random.key(seed)
    k_x, k_e, k_w1, k_b1, k_w2, k_b2 = jax.random.split(key, 6)
    x = jax.random.normal(k_x, (N_NODES, D_IN), dtype=jnp.float32)
    edge_index = jax.random.randint(k_e, (2, N_EDGES), 0, N_NODES, dtype=jnp.int64)
    # Glorot-style params for the two GCNConv layers
    W1 = jax.random.normal(k_w1, (D_IN, D_HID), dtype=jnp.float32) * (1.0 / np.sqrt(D_IN))
    b1 = jnp.zeros((D_HID,), dtype=jnp.float32)
    W2 = jax.random.normal(k_w2, (D_HID, D_OUT), dtype=jnp.float32) * (1.0 / np.sqrt(D_HID))
    b2 = jnp.zeros((D_OUT,), dtype=jnp.float32)
    return {"x": x, "edge_index": edge_index, "W1": W1, "b1": b1, "W2": W2, "b2": b2}


def _gcn_conv(x, edge_index, W, b, num_nodes):
    # PyG-style GCNConv: add self-loops, symmetric normalization D^-1/2 (A+I) D^-1/2 x W + b
    src = edge_index[0]
    dst = edge_index[1]
    loop = jnp.arange(num_nodes, dtype=edge_index.dtype)
    src = jnp.concatenate([src, loop])
    dst = jnp.concatenate([dst, loop])
    h = x @ W
    deg = jnp.zeros((num_nodes,), dtype=h.dtype).at[dst].add(1.0)
    deg_inv_sqrt = jnp.where(deg > 0, 1.0 / jnp.sqrt(deg), 0.0)
    norm = deg_inv_sqrt[src] * deg_inv_sqrt[dst]
    msg = h[src] * norm[:, None]
    out = jnp.zeros((num_nodes, h.shape[1]), dtype=h.dtype).at[dst].add(msg)
    return out + b


def reference(x, edge_index, W1, b1, W2, b2):
    h = _gcn_conv(x, edge_index, W1, b1, N_NODES)
    h = jax.nn.relu(h)
    out = _gcn_conv(h, edge_index, W2, b2, N_NODES)
    return out

if __name__ == "__main__":
    import jax
    _d = setup_inputs()
    print(jax.jit(kernel)(*tuple(_d.values())))

</pallas_src>

<mosaic_0001>
#map = affine_map<(d0, d1) -> (0, 0)>
#map1 = affine_map<(d0, d1) -> (0)>
#map2 = affine_map<(d0, d1) -> (0, 0, 0)>
module attributes {stable_mosaic.version = 14 : i64} {
  func.func @_sc_aggregate(%arg0: i32, %arg1: i32, %arg2: memref<10000x64xf32, #tpu.memory_space<hbm>>, %arg3: memref<10240x64xf32, #tpu.memory_space<hbm>>, %arg4: memref<320000xi32, #tpu.memory_space<hbm>>, %arg5: memref<320000xi32, #tpu.memory_space<hbm>>, %arg6: memref<2x10240x64xf32, #tpu.memory_space<hbm>>, %arg7: memref<80xi32, #tpu.memory_space<vmem>>, %arg8: memref<1x80xi32, #tpu.memory_space<vmem>>, %arg9: memref<80x64xf32, #tpu.memory_space<vmem>>, %arg10: memref<10240x64xf32, #tpu.memory_space<vmem_shared>>, %arg11: memref<!tpu.dma_semaphore, #tpu.memory_space<semaphore_mem>>) attributes {dimension_semantics = [#tpu.dimension_semantics<core_parallel>, #tpu.dimension_semantics<subcore_parallel>], iteration_bounds = array<i64: 2, 16>, scalar_prefetch = 0 : i64, scratch_operands = 5 : i64, tpu.core_type = #tpu.core_type<sc_vector_subcore>, window_params = [{transform_indices = #map}, {transform_indices = #map}, {transform_indices = #map1}, {transform_indices = #map1}, {transform_indices = #map2}]} {
    %mul3A = arith.constant 640 : i32
    %mul3A_0 = arith.muli %arg1, %mul3A : i32
    "tpu.region"() ({
      %run_scoped3A = tpu.sem_alloc : memref<!tpu.dma_semaphore, #tpu.memory_space<semaphore_mem>>
      %dma_start3A = arith.constant 0 : i32
      %dma_start3A_11 = tpu.memref_slice %arg10[%mul3A_0, %dma_start3A] : memref<10240x64xf32, #tpu.memory_space<vmem_shared>> -> memref<640x64xf32, #tpu.memory_space<vmem_shared>>
      %dma_start3A_12 = arith.constant 0 : i32
      %dma_start3A_13 = tpu.memref_slice %arg3[%mul3A_0, %dma_start3A_12] : memref<10240x64xf32, #tpu.memory_space<hbm>> -> memref<640x64xf32, #tpu.memory_space<hbm>>
      tpu.enqueue_dma source(%dma_start3A_13 : memref<640x64xf32, #tpu.memory_space<hbm>>) target(%dma_start3A_11 : memref<640x64xf32, #tpu.memory_space<vmem_shared>>) target_semaphore(%run_scoped3A : memref<!tpu.dma_semaphore, #tpu.memory_space<semaphore_mem>>)
      %dma_wait3A = arith.constant 0 : i32
      %dma_wait3A_14 = tpu.memref_slice %arg10[%mul3A_0, %dma_wait3A] : memref<10240x64xf32, #tpu.memory_space<vmem_shared>> -> memref<640x64xf32, #tpu.memory_space<vmem_shared>>
      %dma_wait3A_15 = arith.constant 0 : i32
      %dma_wait3A_16 = tpu.memref_slice %arg3[%mul3A_0, %dma_wait3A_15] : memref<10240x64xf32, #tpu.memory_space<hbm>> -> memref<640x64xf32, #tpu.memory_space<hbm>>
      tpu.wait_dma2 semaphore(%run_scoped3A : memref<!tpu.dma_semaphore, #tpu.memory_space<semaphore_mem>>) src(%dma_wait3A_16 : memref<640x64xf32, #tpu.memory_space<hbm>>) dst(%dma_wait3A_14 : memref<640x64xf32, #tpu.memory_space<vmem_shared>>)
      tpu.yield
    }) : () -> ()
    %barrier3A = arith.constant 0 : index
    tpu.barrier barrier_id(%barrier3A)
    %mul3A_1 = arith.constant 16 : i32
    %mul3A_2 = arith.muli %arg0, %mul3A_1 : i32
    %add3A = arith.addi %mul3A_2, %arg1 : i32
    %mul3A_3 = arith.constant 10000 : i32
    %mul3A_4 = arith.muli %add3A, %mul3A_3 : i32
    %scan3A = arith.constant 0 : i32
    %scan3A_5 = arith.constant 0 : i32
    %scan3A_6 = arith.constant 125 : i32
    %scan3A_7 = arith.addi %scan3A_5, %scan3A_6 : i32
    %scan3A_8 = arith.constant 1 : i32
    scf.for %scan3A_11 = %scan3A_5 to %scan3A_7 step %scan3A_8  : i32 {
      %mul3A_12 = arith.constant 80 : i32
      %mul3A_13 = arith.muli %scan3A_11, %mul3A_12 : i32
      %add3A_14 = arith.addi %mul3A_4, %mul3A_13 : i32
      %multiple_of3A = tpu.assume_multiple %add3A_14, 8 : i32
      "tpu.region"() ({
        %run_scoped3A_20 = tpu.sem_alloc : memref<!tpu.dma_semaphore, #tpu.memory_space<semaphore_mem>>
        %dma_start3A_21 = tpu.memref_slice %arg4[%multiple_of3A] : memref<320000xi32, #tpu.memory_space<hbm>> -> memref<80xi32, #tpu.memory_space<hbm>>
        %dma_start3A_22 = tpu.memref_slice %arg4[%multiple_of3A] : memref<320000xi32, #tpu.memory_space<hbm>> -> memref<80xi32, #tpu.memory_space<hbm>>
        tpu.enqueue_dma source(%dma_start3A_22 : memref<80xi32, #tpu.memory_space<hbm>>) target(%arg7 : memref<80xi32, #tpu.memory_space<vmem>>) target_semaphore(%run_scoped3A_20 : memref<!tpu.dma_semaphore, #tpu.memory_space<semaphore_mem>>)
        %dma_wait3A_23 = tpu.memref_slice %arg4[%multiple_of3A] : memref<320000xi32, #tpu.memory_space<hbm>> -> memref<80xi32, #tpu.memory_space<hbm>>
        %dma_wait3A_24 = tpu.memref_slice %arg4[%multiple_of3A] : memref<320000xi32, #tpu.memory_space<hbm>> -> memref<80xi32, #tpu.memory_space<hbm>>
        tpu.wait_dma2 semaphore(%run_scoped3A_20 : memref<!tpu.dma_semaphore, #tpu.memory_space<semaphore_mem>>) src(%dma_wait3A_24 : memref<80xi32, #tpu.memory_space<hbm>>) dst(%arg7 : memref<80xi32, #tpu.memory_space<vmem>>)
        tpu.yield
      }) : () -> ()
      %dma_start3A = arith.constant 0 : i32
      %dma_start3A_15 = arith.constant 0 : i32
      %dma_start3A_16 = tpu.memref_slice %arg2[%dma_start3A, %dma_start3A_15] : memref<10000x64xf32, #tpu.memory_space<hbm>> -> memref<10000x64xf32, #tpu.memory_space<hbm>>
      tpu.enqueue_indirect_dma source(%dma_start3A_16 : memref<10000x64xf32, #tpu.memory_space<hbm>>) target(%arg9 : memref<80x64xf32, #tpu.memory_space<vmem>>) offsets(%arg7 : memref<80xi32, #tpu.memory_space<vmem>>) semaphore(%arg11 : memref<!tpu.dma_semaphore, #tpu.memory_space<semaphore_mem>>)
      %dma_wait3A = arith.constant 0 : i32
      %dma_wait3A_17 = arith.constant 0 : i32
      %dma_wait3A_18 = tpu.memref_slice %arg2[%dma_wait3A, %dma_wait3A_17] : memref<10000x64xf32, #tpu.memory_space<hbm>> -> memref<10000x64xf32, #tpu.memory_space<hbm>>
      tpu.wait_indirect_dma semaphore(%arg11 : memref<!tpu.dma_semaphore, #tpu.memory_space<semaphore_mem>>) src(%dma_wait3A_18 : memref<10000x64xf32, #tpu.memory_space<hbm>>) dst(%arg9 : memref<80x64xf32, #tpu.memory_space<vmem>>)
      %run_scoped3A = arith.constant 0 : i32
      "tpu.region"() ({
        %run_scoped3A_20 = tpu.sem_alloc : memref<!tpu.dma_semaphore, #tpu.memory_space<semaphore_mem>>
        %dma_start3A_21 = arith.constant 0 : i32
        %dma_start3A_22 = tpu.memref_slice %arg8[%run_scoped3A, %dma_start3A_21] : memref<1x80xi32, #tpu.memory_space<vmem>> -> memref<1x80xi32, #tpu.memory_space<vmem>>
        %dma_start3A_23 = tpu.memref_squeeze %dma_start3A_22 : memref<1x80xi32, #tpu.memory_space<vmem>> -> memref<80xi32, #tpu.memory_space<vmem>>
        %dma_start3A_24 = tpu.memref_slice %arg5[%multiple_of3A] : memref<320000xi32, #tpu.memory_space<hbm>> -> memref<80xi32, #tpu.memory_space<hbm>>
        %dma_start3A_25 = arith.constant 0 : i32
        %dma_start3A_26 = tpu.memref_slice %arg8[%run_scoped3A, %dma_start3A_25] : memref<1x80xi32, #tpu.memory_space<vmem>> -> memref<1x80xi32, #tpu.memory_space<vmem>>
        %dma_start3A_27 = tpu.memref_squeeze %dma_start3A_26 : memref<1x80xi32, #tpu.memory_space<vmem>> -> memref<80xi32, #tpu.memory_space<vmem>>
        %dma_start3A_28 = tpu.memref_slice %arg5[%multiple_of3A] : memref<320000xi32, #tpu.memory_space<hbm>> -> memref<80xi32, #tpu.memory_space<hbm>>
        tpu.enqueue_dma source(%dma_start3A_28 : memref<80xi32, #tpu.memory_space<hbm>>) target(%dma_start3A_27 : memref<80xi32, #tpu.memory_space<vmem>>) target_semaphore(%run_scoped3A_20 : memref<!tpu.dma_semaphore, #tpu.memory_space<semaphore_mem>>)
        %dma_wait3A_29 = arith.constant 0 : i32
        %dma_wait3A_30 = tpu.memref_slice %arg8[%run_scoped3A, %dma_wait3A_29] : memref<1x80xi32, #tpu.memory_space<vmem>> -> memref<1x80xi32, #tpu.memory_space<vmem>>
        %dma_wait3A_31 = tpu.memref_squeeze %dma_wait3A_30 : memref<1x80xi32, #tpu.memory_space<vmem>> -> memref<80xi32, #tpu.memory_space<vmem>>
        %dma_wait3A_32 = tpu.memref_slice %arg5[%multiple_of3A] : memref<320000xi32, #tpu.memory_space<hbm>> -> memref<80xi32, #tpu.memory_space<hbm>>
        %dma_wait3A_33 = arith.constant 0 : i32
        %dma_wait3A_34 = tpu.memref_slice %arg8[%run_scoped3A, %dma_wait3A_33] : memref<1x80xi32, #tpu.memory_space<vmem>> -> memref<1x80xi32, #tpu.memory_space<vmem>>
        %dma_wait3A_35 = tpu.memref_squeeze %dma_wait3A_34 : memref<1x80xi32, #tpu.memory_space<vmem>> -> memref<80xi32, #tpu.memory_space<vmem>>
        %dma_wait3A_36 = tpu.memref_slice %arg5[%multiple_of3A] : memref<320000xi32, #tpu.memory_space<hbm>> -> memref<80xi32, #tpu.memory_space<hbm>>
        tpu.wait_dma2 semaphore(%run_scoped3A_20 : memref<!tpu.dma_semaphore, #tpu.memory_space<semaphore_mem>>) src(%dma_wait3A_36 : memref<80xi32, #tpu.memory_space<hbm>>) dst(%dma_wait3A_35 : memref<80xi32, #tpu.memory_space<vmem>>)
        tpu.yield
      }) : () -> ()
      %run_scoped3A_19 = arith.constant 0 : i32
      "tpu.region"() ({
        %run_scoped3A_20 = tpu.sem_alloc : memref<!tpu.dma_semaphore, #tpu.memory_space<semaphore_mem>>
        %dma_start3A_21 = arith.constant 0 : i32
        %dma_start3A_22 = tpu.memref_slice %arg8[%run_scoped3A_19, %dma_start3A_21] : memref<1x80xi32, #tpu.memory_space<vmem>> -> memref<1x80xi32, #tpu.memory_space<vmem>>
        %dma_start3A_23 = tpu.memref_squeeze %dma_start3A_22 : memref<1x80xi32, #tpu.memory_space<vmem>> -> memref<80xi32, #tpu.memory_space<vmem>>
        %dma_start3A_24 = arith.constant 0 : i32
        %dma_start3A_25 = arith.constant 0 : i32
        %dma_start3A_26 = tpu.memref_slice %arg10[%dma_start3A_24, %dma_start3A_25] : memref<10240x64xf32, #tpu.memory_space<vmem_shared>> -> memref<10240x64xf32, #tpu.memory_space<vmem_shared>>
        tpu.enqueue_indirect_dma source(%arg9 : memref<80x64xf32, #tpu.memory_space<vmem>>) target(%dma_start3A_26 : memref<10240x64xf32, #tpu.memory_space<vmem_shared>>) offsets(%dma_start3A_23 : memref<80xi32, #tpu.memory_space<vmem>>) semaphore(%run_scoped3A_20 : memref<!tpu.dma_semaphore, #tpu.memory_space<semaphore_mem>>) {add = true}
        %dma_wait3A_27 = arith.constant 0 : i32
        %dma_wait3A_28 = tpu.memref_slice %arg8[%run_scoped3A_19, %dma_wait3A_27] : memref<1x80xi32, #tpu.memory_space<vmem>> -> memref<1x80xi32, #tpu.memory_space<vmem>>
        %dma_wait3A_29 = tpu.memref_squeeze %dma_wait3A_28 : memref<1x80xi32, #tpu.memory_space<vmem>> -> memref<80xi32, #tpu.memory_space<vmem>>
        %dma_wait3A_30 = arith.constant 0 : i32
        %dma_wait3A_31 = arith.constant 0 : i32
        %dma_wait3A_32 = tpu.memref_slice %arg10[%dma_wait3A_30, %dma_wait3A_31] : memref<10240x64xf32, #tpu.memory_space<vmem_shared>> -> memref<10240x64xf32, #tpu.memory_space<vmem_shared>>
        tpu.wait_indirect_dma semaphore(%run_scoped3A_20 : memref<!tpu.dma_semaphore, #tpu.memory_space<semaphore_mem>>) src(%arg9 : memref<80x64xf32, #tpu.memory_space<vmem>>) dst(%dma_wait3A_32 : memref<10240x64xf32, #tpu.memory_space<vmem_shared>>)
        tpu.yield
      }) : () -> ()
    }
    %scan3A_9 = arith.constant 125 : i32
    %barrier3A_10 = arith.constant 0 : index
    tpu.barrier barrier_id(%barrier3A_10)
    "tpu.region"() ({
      %run_scoped3A = tpu.sem_alloc : memref<!tpu.dma_semaphore, #tpu.memory_space<semaphore_mem>>
      %dma_start3A = arith.constant 0 : i32
      %dma_start3A_11 = tpu.memref_slice %arg6[%arg0, %mul3A_0, %dma_start3A] : memref<2x10240x64xf32, #tpu.memory_space<hbm>> -> memref<1x640x64xf32, #tpu.memory_space<hbm>>
      %dma_start3A_12 = tpu.memref_squeeze %dma_start3A_11 : memref<1x640x64xf32, #tpu.memory_space<hbm>> -> memref<640x64xf32, #tpu.memory_space<hbm>>
      %dma_start3A_13 = arith.constant 0 : i32
      %dma_start3A_14 = tpu.memref_slice %arg10[%mul3A_0, %dma_start3A_13] : memref<10240x64xf32, #tpu.memory_space<vmem_shared>> -> memref<640x64xf32, #tpu.memory_space<vmem_shared>>
      tpu.enqueue_dma source(%dma_start3A_14 : memref<640x64xf32, #tpu.memory_space<vmem_shared>>) target(%dma_start3A_12 : memref<640x64xf32, #tpu.memory_space<hbm>>) target_semaphore(%run_scoped3A : memref<!tpu.dma_semaphore, #tpu.memory_space<semaphore_mem>>)
      %dma_wait3A = arith.constant 0 : i32
      %dma_wait3A_15 = tpu.memref_slice %arg6[%arg0, %mul3A_0, %dma_wait3A] : memref<2x10240x64xf32, #tpu.memory_space<hbm>> -> memref<1x640x64xf32, #tpu.memory_space<hbm>>
      %dma_wait3A_16 = tpu.memref_squeeze %dma_wait3A_15 : memref<1x640x64xf32, #tpu.memory_space<hbm>> -> memref<640x64xf32, #tpu.memory_space<hbm>>
      %dma_wait3A_17 = arith.constant 0 : i32
      %dma_wait3A_18 = tpu.memref_slice %arg10[%mul3A_0, %dma_wait3A_17] : memref<10240x64xf32, #tpu.memory_space<vmem_shared>> -> memref<640x64xf32, #tpu.memory_space<vmem_shared>>
      tpu.wait_dma2 semaphore(%run_scoped3A : memref<!tpu.dma_semaphore, #tpu.memory_space<semaphore_mem>>) src(%dma_wait3A_18 : memref<640x64xf32, #tpu.memory_space<vmem_shared>>) dst(%dma_wait3A_16 : memref<640x64xf32, #tpu.memory_space<hbm>>)
      tpu.yield
    }) : () -> ()
    return
  }
}

#map = affine_map<(d0, d1) -> (0, 0)>
#map1 = affine_map<(d0, d1) -> (0)>
#map2 = affine_map<(d0, d1) -> (0, 0, 0)>
module attributes {stable_mosaic.version = 14 : i64} {
  func.func @_sc_aggregate(%arg0: i32, %arg1: i32, %arg2: memref<10000x64xf32, #tpu.memory_space<hbm>>, %arg3: memref<10240x64xf32, #tpu.memory_space<hbm>>, %arg4: memref<320000xi32, #tpu.memory_space<hbm>>, %arg5: memref<320000xi32, #tpu.memory_space<hbm>>, %arg6: memref<2x10240x64xf32, #tpu.memory_space<hbm>>, %arg7: memref<80xi32, #tpu.memory_space<vmem>>, %arg8: memref<1x80xi32, #tpu.memory_space<vmem>>, %arg9: memref<80x64xf32, #tpu.memory_space<vmem>>, %arg10: memref<10240x64xf32, #tpu.memory_space<vmem_shared>>, %arg11: memref<!tpu.dma_semaphore, #tpu.memory_space<semaphore_mem>>) attributes {dimension_semantics = [#tpu.dimension_semantics<core_parallel>, #tpu.dimension_semantics<subcore_parallel>], iteration_bounds = array<i64: 2, 16>, scalar_prefetch = 0 : i64, scratch_operands = 5 : i64, tpu.core_type = #tpu.core_type<sc_vector_subcore>, window_params = [{transform_indices = #map}, {transform_indices = #map}, {transform_indices = #map1}, {transform_indices = #map1}, {transform_indices = #map2}]} {
    %mul3A = arith.constant 640 : i32
    %mul3A_0 = arith.muli %arg1, %mul3A : i32
    "tpu.region"() ({
      %run_scoped3A = tpu.sem_alloc : memref<!tpu.dma_semaphore, #tpu.memory_space<semaphore_mem>>
      %dma_start3A = arith.constant 0 : i32
      %dma_start3A_11 = tpu.memref_slice %arg10[%mul3A_0, %dma_start3A] : memref<10240x64xf32, #tpu.memory_space<vmem_shared>> -> memref<640x64xf32, #tpu.memory_space<vmem_shared>>
      %dma_start3A_12 = arith.constant 0 : i32
      %dma_start3A_13 = tpu.memref_slice %arg3[%mul3A_0, %dma_start3A_12] : memref<10240x64xf32, #tpu.memory_space<hbm>> -> memref<640x64xf32, #tpu.memory_space<hbm>>
      tpu.enqueue_dma source(%dma_start3A_13 : memref<640x64xf32, #tpu.memory_space<hbm>>) target(%dma_start3A_11 : memref<640x64xf32, #tpu.memory_space<vmem_shared>>) target_semaphore(%run_scoped3A : memref<!tpu.dma_semaphore, #tpu.memory_space<semaphore_mem>>)
      %dma_wait3A = arith.constant 0 : i32
      %dma_wait3A_14 = tpu.memref_slice %arg10[%mul3A_0, %dma_wait3A] : memref<10240x64xf32, #tpu.memory_space<vmem_shared>> -> memref<640x64xf32, #tpu.memory_space<vmem_shared>>
      %dma_wait3A_15 = arith.constant 0 : i32
      %dma_wait3A_16 = tpu.memref_slice %arg3[%mul3A_0, %dma_wait3A_15] : memref<10240x64xf32, #tpu.memory_space<hbm>> -> memref<640x64xf32, #tpu.memory_space<hbm>>
      tpu.wait_dma2 semaphore(%run_scoped3A : memref<!tpu.dma_semaphore, #tpu.memory_space<semaphore_mem>>) src(%dma_wait3A_16 : memref<640x64xf32, #tpu.memory_space<hbm>>) dst(%dma_wait3A_14 : memref<640x64xf32, #tpu.memory_space<vmem_shared>>)
      tpu.yield
    }) : () -> ()
    %barrier3A = arith.constant 0 : index
    tpu.barrier barrier_id(%barrier3A)
    %mul3A_1 = arith.constant 16 : i32
    %mul3A_2 = arith.muli %arg0, %mul3A_1 : i32
    %add3A = arith.addi %mul3A_2, %arg1 : i32
    %mul3A_3 = arith.constant 10000 : i32
    %mul3A_4 = arith.muli %add3A, %mul3A_3 : i32
    %scan3A = arith.constant 0 : i32
    %scan3A_5 = arith.constant 0 : i32
    %scan3A_6 = arith.constant 125 : i32
    %scan3A_7 = arith.addi %scan3A_5, %scan3A_6 : i32
    %scan3A_8 = arith.constant 1 : i32
    scf.for %scan3A_11 = %scan3A_5 to %scan3A_7 step %scan3A_8  : i32 {
      %mul3A_12 = arith.constant 80 : i32
      %mul3A_13 = arith.muli %scan3A_11, %mul3A_12 : i32
      %add3A_14 = arith.addi %mul3A_4, %mul3A_13 : i32
      %multiple_of3A = tpu.assume_multiple %add3A_14, 8 : i32
      "tpu.region"() ({
        %run_scoped3A_20 = tpu.sem_alloc : memref<!tpu.dma_semaphore, #tpu.memory_space<semaphore_mem>>
        %dma_start3A_21 = tpu.memref_slice %arg4[%multiple_of3A] : memref<320000xi32, #tpu.memory_space<hbm>> -> memref<80xi32, #tpu.memory_space<hbm>>
        %dma_start3A_22 = tpu.memref_slice %arg4[%multiple_of3A] : memref<320000xi32, #tpu.memory_space<hbm>> -> memref<80xi32, #tpu.memory_space<hbm>>
        tpu.enqueue_dma source(%dma_start3A_22 : memref<80xi32, #tpu.memory_space<hbm>>) target(%arg7 : memref<80xi32, #tpu.memory_space<vmem>>) target_semaphore(%run_scoped3A_20 : memref<!tpu.dma_semaphore, #tpu.memory_space<semaphore_mem>>)
        %dma_wait3A_23 = tpu.memref_slice %arg4[%multiple_of3A] : memref<320000xi32, #tpu.memory_space<hbm>> -> memref<80xi32, #tpu.memory_space<hbm>>
        %dma_wait3A_24 = tpu.memref_slice %arg4[%multiple_of3A] : memref<320000xi32, #tpu.memory_space<hbm>> -> memref<80xi32, #tpu.memory_space<hbm>>
        tpu.wait_dma2 semaphore(%run_scoped3A_20 : memref<!tpu.dma_semaphore, #tpu.memory_space<semaphore_mem>>) src(%dma_wait3A_24 : memref<80xi32, #tpu.memory_space<hbm>>) dst(%arg7 : memref<80xi32, #tpu.memory_space<vmem>>)
        tpu.yield
      }) : () -> ()
      %dma_start3A = arith.constant 0 : i32
      %dma_start3A_15 = arith.constant 0 : i32
      %dma_start3A_16 = tpu.memref_slice %arg2[%dma_start3A, %dma_start3A_15] : memref<10000x64xf32, #tpu.memory_space<hbm>> -> memref<10000x64xf32, #tpu.memory_space<hbm>>
      tpu.enqueue_indirect_dma source(%dma_start3A_16 : memref<10000x64xf32, #tpu.memory_space<hbm>>) target(%arg9 : memref<80x64xf32, #tpu.memory_space<vmem>>) offsets(%arg7 : memref<80xi32, #tpu.memory_space<vmem>>) semaphore(%arg11 : memref<!tpu.dma_semaphore, #tpu.memory_space<semaphore_mem>>)
      %dma_wait3A = arith.constant 0 : i32
      %dma_wait3A_17 = arith.constant 0 : i32
      %dma_wait3A_18 = tpu.memref_slice %arg2[%dma_wait3A, %dma_wait3A_17] : memref<10000x64xf32, #tpu.memory_space<hbm>> -> memref<10000x64xf32, #tpu.memory_space<hbm>>
      tpu.wait_indirect_dma semaphore(%arg11 : memref<!tpu.dma_semaphore, #tpu.memory_space<semaphore_mem>>) src(%dma_wait3A_18 : memref<10000x64xf32, #tpu.memory_space<hbm>>) dst(%arg9 : memref<80x64xf32, #tpu.memory_space<vmem>>)
      %run_scoped3A = arith.constant 0 : i32
      "tpu.region"() ({
        %run_scoped3A_20 = tpu.sem_alloc : memref<!tpu.dma_semaphore, #tpu.memory_space<semaphore_mem>>
        %dma_start3A_21 = arith.constant 0 : i32
        %dma_start3A_22 = tpu.memref_slice %arg8[%run_scoped3A, %dma_start3A_21] : memref<1x80xi32, #tpu.memory_space<vmem>> -> memref<1x80xi32, #tpu.memory_space<vmem>>
        %dma_start3A_23 = tpu.memref_squeeze %dma_start3A_22 : memref<1x80xi32, #tpu.memory_space<vmem>> -> memref<80xi32, #tpu.memory_space<vmem>>
        %dma_start3A_24 = tpu.memref_slice %arg5[%multiple_of3A] : memref<320000xi32, #tpu.memory_space<hbm>> -> memref<80xi32, #tpu.memory_space<hbm>>
        %dma_start3A_25 = arith.constant 0 : i32
        %dma_start3A_26 = tpu.memref_slice %arg8[%run_scoped3A, %dma_start3A_25] : memref<1x80xi32, #tpu.memory_space<vmem>> -> memref<1x80xi32, #tpu.memory_space<vmem>>
        %dma_start3A_27 = tpu.memref_squeeze %dma_start3A_26 : memref<1x80xi32, #tpu.memory_space<vmem>> -> memref<80xi32, #tpu.memory_space<vmem>>
        %dma_start3A_28 = tpu.memref_slice %arg5[%multiple_of3A] : memref<320000xi32, #tpu.memory_space<hbm>> -> memref<80xi32, #tpu.memory_space<hbm>>
        tpu.enqueue_dma source(%dma_start3A_28 : memref<80xi32, #tpu.memory_space<hbm>>) target(%dma_start3A_27 : memref<80xi32, #tpu.memory_space<vmem>>) target_semaphore(%run_scoped3A_20 : memref<!tpu.dma_semaphore, #tpu.memory_space<semaphore_mem>>)
        %dma_wait3A_29 = arith.constant 0 : i32
        %dma_wait3A_30 = tpu.memref_slice %arg8[%run_scoped3A, %dma_wait3A_29] : memref<1x80xi32, #tpu.memory_space<vmem>> -> memref<1x80xi32, #tpu.memory_space<vmem>>
        %dma_wait3A_31 = tpu.memref_squeeze %dma_wait3A_30 : memref<1x80xi32, #tpu.memory_space<vmem>> -> memref<80xi32, #tpu.memory_space<vmem>>
        %dma_wait3A_32 = tpu.memref_slice %arg5[%multiple_of3A] : memref<320000xi32, #tpu.memory_space<hbm>> -> memref<80xi32, #tpu.memory_space<hbm>>
        %dma_wait3A_33 = arith.constant 0 : i32
        %dma_wait3A_34 = tpu.memref_slice %arg8[%run_scoped3A, %dma_wait3A_33] : memref<1x80xi32, #tpu.memory_space<vmem>> -> memref<1x80xi32, #tpu.memory_space<vmem>>
        %dma_wait3A_35 = tpu.memref_squeeze %dma_wait3A_34 : memref<1x80xi32, #tpu.memory_space<vmem>> -> memref<80xi32, #tpu.memory_space<vmem>>
        %dma_wait3A_36 = tpu.memref_slice %arg5[%multiple_of3A] : memref<320000xi32, #tpu.memory_space<hbm>> -> memref<80xi32, #tpu.memory_space<hbm>>
        tpu.wait_dma2 semaphore(%run_scoped3A_20 : memref<!tpu.dma_semaphore, #tpu.memory_space<semaphore_mem>>) src(%dma_wait3A_36 : memref<80xi32, #tpu.memory_space<hbm>>) dst(%dma_wait3A_35 : memref<80xi32, #tpu.memory_space<vmem>>)
        tpu.yield
      }) : () -> ()
      %run_scoped3A_19 = arith.constant 0 : i32
      "tpu.region"() ({
        %run_scoped3A_20 = tpu.sem_alloc : memref<!tpu.dma_semaphore, #tpu.memory_space<semaphore_mem>>
        %dma_start3A_21 = arith.constant 0 : i32
        %dma_start3A_22 = tpu.memref_slice %arg8[%run_scoped3A_19, %dma_start3A_21] : memref<1x80xi32, #tpu.memory_space<vmem>> -> memref<1x80xi32, #tpu.memory_space<vmem>>
        %dma_start3A_23 = tpu.memref_squeeze %dma_start3A_22 : memref<1x80xi32, #tpu.memory_space<vmem>> -> memref<80xi32, #tpu.memory_space<vmem>>
        %dma_start3A_24 = arith.constant 0 : i32
        %dma_start3A_25 = arith.constant 0 : i32
        %dma_start3A_26 = tpu.memref_slice %arg10[%dma_start3A_24, %dma_start3A_25] : memref<10240x64xf32, #tpu.memory_space<vmem_shared>> -> memref<10240x64xf32, #tpu.memory_space<vmem_shared>>
        tpu.enqueue_indirect_dma source(%arg9 : memref<80x64xf32, #tpu.memory_space<vmem>>) target(%dma_start3A_26 : memref<10240x64xf32, #tpu.memory_space<vmem_shared>>) offsets(%dma_start3A_23 : memref<80xi32, #tpu.memory_space<vmem>>) semaphore(%run_scoped3A_20 : memref<!tpu.dma_semaphore, #tpu.memory_space<semaphore_mem>>) {add = true}
        %dma_wait3A_27 = arith.constant 0 : i32
        %dma_wait3A_28 = tpu.memref_slice %arg8[%run_scoped3A_19, %dma_wait3A_27] : memref<1x80xi32, #tpu.memory_space<vmem>> -> memref<1x80xi32, #tpu.memory_space<vmem>>
        %dma_wait3A_29 = tpu.memref_squeeze %dma_wait3A_28 : memref<1x80xi32, #tpu.memory_space<vmem>> -> memref<80xi32, #tpu.memory_space<vmem>>
        %dma_wait3A_30 = arith.constant 0 : i32
        %dma_wait3A_31 = arith.constant 0 : i32
        %dma_wait3A_32 = tpu.memref_slice %arg10[%dma_wait3A_30, %dma_wait3A_31] : memref<10240x64xf32, #tpu.memory_space<vmem_shared>> -> memref<10240x64xf32, #tpu.memory_space<vmem_shared>>
        tpu.wait_indirect_dma semaphore(%run_scoped3A_20 : memref<!tpu.dma_semaphore, #tpu.memory_space<semaphore_mem>>) src(%arg9 : memref<80x64xf32, #tpu.memory_space<vmem>>) dst(%dma_wait3A_32 : memref<10240x64xf32, #tpu.memory_space<vmem_shared>>)
        tpu.yield
      }) : () -> ()
    }
    %scan3A_9 = arith.constant 125 : i32
    %barrier3A_10 = arith.constant 0 : index
    tpu.barrier barrier_id(%barrier3A_10)
    "tpu.region"() ({
      %run_scoped3A = tpu.sem_alloc : memref<!tpu.dma_semaphore, #tpu.memory_space<semaphore_mem>>
      %dma_start3A = arith.constant 0 : i32
      %dma_start3A_11 = tpu.memref_slice %arg6[%arg0, %mul3A_0, %dma_start3A] : memref<2x10240x64xf32, #tpu.memory_space<hbm>> -> memref<1x640x64xf32, #tpu.memory_space<hbm>>
      %dma_start3A_12 = tpu.memref_squeeze %dma_start3A_11 : memref<1x640x64xf32, #tpu.memory_space<hbm>> -> memref<640x64xf32, #tpu.memory_space<hbm>>
      %dma_start3A_13 = arith.constant 0 : i32
      %dma_start3A_14 = tpu.memref_slice %arg10[%mul3A_0, %dma_start3A_13] : memref<10240x64xf32, #tpu.memory_space<vmem_shared>> -> memref<640x64xf32, #tpu.memory_space<vmem_shared>>
      tpu.enqueue_dma source(%dma_start3A_14 : memref<640x64xf32, #tpu.memory_space<vmem_shared>>) target(%dma_start3A_12 : memref<640x64xf32, #tpu.memory_space<hbm>>) target_semaphore(%run_scoped3A : memref<!tpu.dma_semaphore, #tpu.memory_space<semaphore_mem>>)
      %dma_wait3A = arith.constant 0 : i32
      %dma_wait3A_15 = tpu.memref_slice %arg6[%arg0, %mul3A_0, %dma_wait3A] : memref<2x10240x64xf32, #tpu.memory_space<hbm>> -> memref<1x640x64xf32, #tpu.memory_space<hbm>>
      %dma_wait3A_16 = tpu.memref_squeeze %dma_wait3A_15 : memref<1x640x64xf32, #tpu.memory_space<hbm>> -> memref<640x64xf32, #tpu.memory_space<hbm>>
      %dma_wait3A_17 = arith.constant 0 : i32
      %dma_wait3A_18 = tpu.memref_slice %arg10[%mul3A_0, %dma_wait3A_17] : memref<10240x64xf32, #tpu.memory_space<vmem_shared>> -> memref<640x64xf32, #tpu.memory_space<vmem_shared>>
      tpu.wait_dma2 semaphore(%run_scoped3A : memref<!tpu.dma_semaphore, #tpu.memory_space<semaphore_mem>>) src(%dma_wait3A_18 : memref<640x64xf32, #tpu.memory_space<vmem_shared>>) dst(%dma_wait3A_16 : memref<640x64xf32, #tpu.memory_space<hbm>>)
      tpu.yield
    }) : () -> ()
    return
  }
}

#map = affine_map<(d0, d1) -> (0, 0)>
#map1 = affine_map<(d0, d1) -> (0)>
#map2 = affine_map<(d0, d1) -> (0, 0, 0)>
module attributes {stable_mosaic.version = 14 : i64} {
  func.func @_sc_degree(%arg0: i32, %arg1: i32, %arg2: memref<80x16xf32, #tpu.memory_space<hbm>>, %arg3: memref<10240x16xf32, #tpu.memory_space<hbm>>, %arg4: memref<320000xi32, #tpu.memory_space<hbm>>, %arg5: memref<2x10240x16xf32, #tpu.memory_space<hbm>>, %arg6: memref<80x16xf32, #tpu.memory_space<vmem>>, %arg7: memref<1x80xi32, #tpu.memory_space<vmem>>, %arg8: memref<10240x16xf32, #tpu.memory_space<vmem_shared>>) attributes {dimension_semantics = [#tpu.dimension_semantics<core_parallel>, #tpu.dimension_semantics<subcore_parallel>], iteration_bounds = array<i64: 2, 16>, scalar_prefetch = 0 : i64, scratch_operands = 3 : i64, tpu.core_type = #tpu.core_type<sc_vector_subcore>, window_params = [{transform_indices = #map}, {transform_indices = #map}, {transform_indices = #map1}, {transform_indices = #map2}]} {
    %mul3A = arith.constant 640 : i32
    %mul3A_0 = arith.muli %arg1, %mul3A : i32
    "tpu.region"() ({
      %run_scoped3A = tpu.sem_alloc : memref<!tpu.dma_semaphore, #tpu.memory_space<semaphore_mem>>
      %dma_start3A = arith.constant 0 : i32
      %dma_start3A_11 = tpu.memref_slice %arg8[%mul3A_0, %dma_start3A] : memref<10240x16xf32, #tpu.memory_space<vmem_shared>> -> memref<640x16xf32, #tpu.memory_space<vmem_shared>>
      %dma_start3A_12 = arith.constant 0 : i32
      %dma_start3A_13 = tpu.memref_slice %arg3[%mul3A_0, %dma_start3A_12] : memref<10240x16xf32, #tpu.memory_space<hbm>> -> memref<640x16xf32, #tpu.memory_space<hbm>>
      tpu.enqueue_dma source(%dma_start3A_13 : memref<640x16xf32, #tpu.memory_space<hbm>>) target(%dma_start3A_11 : memref<640x16xf32, #tpu.memory_space<vmem_shared>>) target_semaphore(%run_scoped3A : memref<!tpu.dma_semaphore, #tpu.memory_space<semaphore_mem>>)
      %dma_wait3A = arith.constant 0 : i32
      %dma_wait3A_14 = tpu.memref_slice %arg8[%mul3A_0, %dma_wait3A] : memref<10240x16xf32, #tpu.memory_space<vmem_shared>> -> memref<640x16xf32, #tpu.memory_space<vmem_shared>>
      %dma_wait3A_15 = arith.constant 0 : i32
      %dma_wait3A_16 = tpu.memref_slice %arg3[%mul3A_0, %dma_wait3A_15] : memref<10240x16xf32, #tpu.memory_space<hbm>> -> memref<640x16xf32, #tpu.memory_space<hbm>>
      tpu.wait_dma2 semaphore(%run_scoped3A : memref<!tpu.dma_semaphore, #tpu.memory_space<semaphore_mem>>) src(%dma_wait3A_16 : memref<640x16xf32, #tpu.memory_space<hbm>>) dst(%dma_wait3A_14 : memref<640x16xf32, #tpu.memory_space<vmem_shared>>)
      tpu.yield
    }) : () -> ()
    "tpu.region"() ({
      %run_scoped3A = tpu.sem_alloc : memref<!tpu.dma_semaphore, #tpu.memory_space<semaphore_mem>>
      tpu.enqueue_dma source(%arg2 : memref<80x16xf32, #tpu.memory_space<hbm>>) target(%arg6 : memref<80x16xf32, #tpu.memory_space<vmem>>) target_semaphore(%run_scoped3A : memref<!tpu.dma_semaphore, #tpu.memory_space<semaphore_mem>>)
      tpu.wait_dma2 semaphore(%run_scoped3A : memref<!tpu.dma_semaphore, #tpu.memory_space<semaphore_mem>>) src(%arg2 : memref<80x16xf32, #tpu.memory_space<hbm>>) dst(%arg6 : memref<80x16xf32, #tpu.memory_space<vmem>>)
      tpu.yield
    }) : () -> ()
    %barrier3A = arith.constant 0 : index
    tpu.barrier barrier_id(%barrier3A)
    %mul3A_1 = arith.constant 16 : i32
    %mul3A_2 = arith.muli %arg0, %mul3A_1 : i32
    %add3A = arith.addi %mul3A_2, %arg1 : i32
    %mul3A_3 = arith.constant 10000 : i32
    %mul3A_4 = arith.muli %add3A, %mul3A_3 : i32
    %scan3A = arith.constant 0 : i32
    %scan3A_5 = arith.constant 0 : i32
    %scan3A_6 = arith.constant 125 : i32
    %scan3A_7 = arith.addi %scan3A_5, %scan3A_6 : i32
    %scan3A_8 = arith.constant 1 : i32
    scf.for %scan3A_11 = %scan3A_5 to %scan3A_7 step %scan3A_8  : i32 {
      %mul3A_12 = arith.constant 80 : i32
      %mul3A_13 = arith.muli %scan3A_11, %mul3A_12 : i32
      %add3A_14 = arith.addi %mul3A_4, %mul3A_13 : i32
      %multiple_of3A = tpu.assume_multiple %add3A_14, 8 : i32
      %run_scoped3A = arith.constant 0 : i32
      "tpu.region"() ({
        %run_scoped3A_16 = tpu.sem_alloc : memref<!tpu.dma_semaphore, #tpu.memory_space<semaphore_mem>>
        %dma_start3A = arith.constant 0 : i32
        %dma_start3A_17 = tpu.memref_slice %arg7[%run_scoped3A, %dma_start3A] : memref<1x80xi32, #tpu.memory_space<vmem>> -> memref<1x80xi32, #tpu.memory_space<vmem>>
        %dma_start3A_18 = tpu.memref_squeeze %dma_start3A_17 : memref<1x80xi32, #tpu.memory_space<vmem>> -> memref<80xi32, #tpu.memory_space<vmem>>
        %dma_start3A_19 = tpu.memref_slice %arg4[%multiple_of3A] : memref<320000xi32, #tpu.memory_space<hbm>> -> memref<80xi32, #tpu.memory_space<hbm>>
        %dma_start3A_20 = arith.constant 0 : i32
        %dma_start3A_21 = tpu.memref_slice %arg7[%run_scoped3A, %dma_start3A_20] : memref<1x80xi32, #tpu.memory_space<vmem>> -> memref<1x80xi32, #tpu.memory_space<vmem>>
        %dma_start3A_22 = tpu.memref_squeeze %dma_start3A_21 : memref<1x80xi32, #tpu.memory_space<vmem>> -> memref<80xi32, #tpu.memory_space<vmem>>
        %dma_start3A_23 = tpu.memref_slice %arg4[%multiple_of3A] : memref<320000xi32, #tpu.memory_space<hbm>> -> memref<80xi32, #tpu.memory_space<hbm>>
        tpu.enqueue_dma source(%dma_start3A_23 : memref<80xi32, #tpu.memory_space<hbm>>) target(%dma_start3A_22 : memref<80xi32, #tpu.memory_space<vmem>>) target_semaphore(%run_scoped3A_16 : memref<!tpu.dma_semaphore, #tpu.memory_space<semaphore_mem>>)
        %dma_wait3A = arith.constant 0 : i32
        %dma_wait3A_24 = tpu.memref_slice %arg7[%run_scoped3A, %dma_wait3A] : memref<1x80xi32, #tpu.memory_space<vmem>> -> memref<1x80xi32, #tpu.memory_space<vmem>>
        %dma_wait3A_25 = tpu.memref_squeeze %dma_wait3A_24 : memref<1x80xi32, #tpu.memory_space<vmem>> -> memref<80xi32, #tpu.memory_space<vmem>>
        %dma_wait3A_26 = tpu.memref_slice %arg4[%multiple_of3A] : memref<320000xi32, #tpu.memory_space<hbm>> -> memref<80xi32, #tpu.memory_space<hbm>>
        %dma_wait3A_27 = arith.constant 0 : i32
        %dma_wait3A_28 = tpu.memref_slice %arg7[%run_scoped3A, %dma_wait3A_27] : memref<1x80xi32, #tpu.memory_space<vmem>> -> memref<1x80xi32, #tpu.memory_space<vmem>>
        %dma_wait3A_29 = tpu.memref_squeeze %dma_wait3A_28 : memref<1x80xi32, #tpu.memory_space<vmem>> -> memref<80xi32, #tpu.memory_space<vmem>>
        %dma_wait3A_30 = tpu.memref_slice %arg4[%multiple_of3A] : memref<320000xi32, #tpu.memory_space<hbm>> -> memref<80xi32, #tpu.memory_space<hbm>>
        tpu.wait_dma2 semaphore(%run_scoped3A_16 : memref<!tpu.dma_semaphore, #tpu.memory_space<semaphore_mem>>) src(%dma_wait3A_30 : memref<80xi32, #tpu.memory_space<hbm>>) dst(%dma_wait3A_29 : memref<80xi32, #tpu.memory_space<vmem>>)
        tpu.yield
      }) : () -> ()
      %run_scoped3A_15 = arith.constant 0 : i32
      "tpu.region"() ({
        %run_scoped3A_16 = tpu.sem_alloc : memref<!tpu.dma_semaphore, #tpu.memory_space<semaphore_mem>>
        %dma_start3A = arith.constant 0 : i32
        %dma_start3A_17 = tpu.memref_slice %arg7[%run_scoped3A_15, %dma_start3A] : memref<1x80xi32, #tpu.memory_space<vmem>> -> memref<1x80xi32, #tpu.memory_space<vmem>>
        %dma_start3A_18 = tpu.memref_squeeze %dma_start3A_17 : memref<1x80xi32, #tpu.memory_space<vmem>> -> memref<80xi32, #tpu.memory_space<vmem>>
        %dma_start3A_19 = arith.constant 0 : i32
        %dma_start3A_20 = arith.constant 0 : i32
        %dma_start3A_21 = tpu.memref_slice %arg8[%dma_start3A_19, %dma_start3A_20] : memref<10240x16xf32, #tpu.memory_space<vmem_shared>> -> memref<10240x16xf32, #tpu.memory_space<vmem_shared>>
        tpu.enqueue_indirect_dma source(%arg6 : memref<80x16xf32, #tpu.memory_space<vmem>>) target(%dma_start3A_21 : memref<10240x16xf32, #tpu.memory_space<vmem_shared>>) offsets(%dma_start3A_18 : memref<80xi32, #tpu.memory_space<vmem>>) semaphore(%run_scoped3A_16 : memref<!tpu.dma_semaphore, #tpu.memory_space<semaphore_mem>>) {add = true}
        %dma_wait3A = arith.constant 0 : i32
        %dma_wait3A_22 = tpu.memref_slice %arg7[%run_scoped3A_15, %dma_wait3A] : memref<1x80xi32, #tpu.memory_space<vmem>> -> memref<1x80xi32, #tpu.memory_space<vmem>>
        %dma_wait3A_23 = tpu.memref_squeeze %dma_wait3A_22 : memref<1x80xi32, #tpu.memory_space<vmem>> -> memref<80xi32, #tpu.memory_space<vmem>>
        %dma_wait3A_24 = arith.constant 0 : i32
        %dma_wait3A_25 = arith.constant 0 : i32
        %dma_wait3A_26 = tpu.memref_slice %arg8[%dma_wait3A_24, %dma_wait3A_25] : memref<10240x16xf32, #tpu.memory_space<vmem_shared>> -> memref<10240x16xf32, #tpu.memory_space<vmem_shared>>
        tpu.wait_indirect_dma semaphore(%run_scoped3A_16 : memref<!tpu.dma_semaphore, #tpu.memory_space<semaphore_mem>>) src(%arg6 : memref<80x16xf32, #tpu.memory_space<vmem>>) dst(%dma_wait3A_26 : memref<10240x16xf32, #tpu.memory_space<vmem_shared>>)
        tpu.yield
      }) : () -> ()
    }
    %scan3A_9 = arith.constant 125 : i32
    %barrier3A_10 = arith.constant 0 : index
    tpu.barrier barrier_id(%barrier3A_10)
    "tpu.region"() ({
      %run_scoped3A = tpu.sem_alloc : memref<!tpu.dma_semaphore, #tpu.memory_space<semaphore_mem>>
      %dma_start3A = arith.constant 0 : i32
      %dma_start3A_11 = tpu.memref_slice %arg5[%arg0, %mul3A_0, %dma_start3A] : memref<2x10240x16xf32, #tpu.memory_space<hbm>> -> memref<1x640x16xf32, #tpu.memory_space<hbm>>
      %dma_start3A_12 = tpu.memref_squeeze %dma_start3A_11 : memref<1x640x16xf32, #tpu.memory_space<hbm>> -> memref<640x16xf32, #tpu.memory_space<hbm>>
      %dma_start3A_13 = arith.constant 0 : i32
      %dma_start3A_14 = tpu.memref_slice %arg8[%mul3A_0, %dma_start3A_13] : memref<10240x16xf32, #tpu.memory_space<vmem_shared>> -> memref<640x16xf32, #tpu.memory_space<vmem_shared>>
      tpu.enqueue_dma source(%dma_start3A_14 : memref<640x16xf32, #tpu.memory_space<vmem_shared>>) target(%dma_start3A_12 : memref<640x16xf32, #tpu.memory_space<hbm>>) target_semaphore(%run_scoped3A : memref<!tpu.dma_semaphore, #tpu.memory_space<semaphore_mem>>)
      %dma_wait3A = arith.constant 0 : i32
      %dma_wait3A_15 = tpu.memref_slice %arg5[%arg0, %mul3A_0, %dma_wait3A] : memref<2x10240x16xf32, #tpu.memory_space<hbm>> -> memref<1x640x16xf32, #tpu.memory_space<hbm>>
      %dma_wait3A_16 = tpu.memref_squeeze %dma_wait3A_15 : memref<1x640x16xf32, #tpu.memory_space<hbm>> -> memref<640x16xf32, #tpu.memory_space<hbm>>
      %dma_wait3A_17 = arith.constant 0 : i32
      %dma_wait3A_18 = tpu.memref_slice %arg8[%mul3A_0, %dma_wait3A_17] : memref<10240x16xf32, #tpu.memory_space<vmem_shared>> -> memref<640x16xf32, #tpu.memory_space<vmem_shared>>
      tpu.wait_dma2 semaphore(%run_scoped3A : memref<!tpu.dma_semaphore, #tpu.memory_space<semaphore_mem>>) src(%dma_wait3A_18 : memref<640x16xf32, #tpu.memory_space<vmem_shared>>) dst(%dma_wait3A_16 : memref<640x16xf32, #tpu.memory_space<hbm>>)
      tpu.yield
    }) : () -> ()
    return
  }
}

module attributes {stable_mosaic.version = 14 : i64} {
  func.func @_tc1_body(%arg0: i32, %arg1: memref<2000x128xf32, #tpu.memory_space<vmem>>, %arg2: memref<128x64xf32, #tpu.memory_space<vmem>>, %arg3: memref<2x2000x16xf32, #tpu.memory_space<vmem>>, %arg4: memref<2000x64xf32, #tpu.memory_space<vmem>>) attributes {dimension_semantics = [#tpu.dimension_semantics<arbitrary>], iteration_bounds = array<i64: 5>, scalar_prefetch = 0 : i64, scratch_operands = 0 : i64, tpu.core_type = #tpu.core_type<tc>, window_params = [{transform_indices = @transform_0, window_bounds = array<i64: 2000, 128>}, {pipeline_mode = #tpu.pipeline_mode<synchronous>, transform_indices = @transform_1, window_bounds = array<i64: 128, 64>}, {transform_indices = @transform_2, window_bounds = array<i64: 2, 2000, 16>}, {transform_indices = @transform_3, window_bounds = array<i64: 2000, 64>}]} {
    %get3A = arith.constant 0 : index
    %get3A_0 = arith.constant 0 : index
    %get3A_1 = arith.constant 0 : index
    %get3A_2 = vector.load %arg3[%get3A, %get3A_0, %get3A_1] : memref<2x2000x16xf32, #tpu.memory_space<vmem>>, vector<1x2000x1xf32>
    %get3A_3 = vector.shape_cast %get3A_2 : vector<1x2000x1xf32> to vector<2000x1xf32>
    %get3A_4 = arith.constant 1 : index
    %get3A_5 = arith.constant 0 : index
    %get3A_6 = arith.constant 0 : index
    %get3A_7 = vector.load %arg3[%get3A_4, %get3A_5, %get3A_6] : memref<2x2000x16xf32, #tpu.memory_space<vmem>>, vector<1x2000x1xf32>
    %get3A_8 = vector.shape_cast %get3A_7 : vector<1x2000x1xf32> to vector<2000x1xf32>
    %add3A = arith.addf %get3A_3, %get3A_8 : vector<2000x1xf32>
    %add3A_9 = arith.constant 1.000000e+00 : f32
    %add3A_10 = vector.broadcast %add3A_9 : f32 to vector<2000x1xf32>
    %add3A_11 = arith.addf %add3A, %add3A_10 : vector<2000x1xf32>
    %rsqrt3A = math.rsqrt %add3A_11 : vector<2000x1xf32>
    %get3A_12 = arith.constant 0 : index
    %get3A_13 = arith.constant 0 : index
    %get3A_14 = vector.load %arg1[%get3A_12, %get3A_13] : memref<2000x128xf32, #tpu.memory_space<vmem>>, vector<2000x128xf32>
    %get3A_15 = arith.constant 0 : index
    %get3A_16 = arith.constant 0 : index
    %get3A_17 = vector.load %arg2[%get3A_15, %get3A_16] : memref<128x64xf32, #tpu.memory_space<vmem>>, vector<128x64xf32>
    %dot_general3A = arith.constant dense<0.000000e+00> : vector<2000x64xf32>
    %dot_general3A_18 = tpu.matmul %get3A_14, %get3A_17, %dot_general3A {dimension_numbers = #tpu.dot_dimension_numbers<[1], [0], [0], [1], [0, 0, 1, 1], [], []>, transpose_lhs_hint = false} : vector<2000x128xf32>, vector<128x64xf32>, vector<2000x64xf32> -> vector<2000x64xf32>
    %mul3A = vector.broadcast %rsqrt3A : vector<2000x1xf32> to vector<2000x64xf32>
    %mul3A_19 = arith.mulf %dot_general3A_18, %mul3A : vector<2000x64xf32>
    %swap3A = arith.constant 0 : index
    %swap3A_20 = arith.constant 0 : index
    %swap3A_21 = vector.load %arg4[%swap3A, %swap3A_20] : memref<2000x64xf32, #tpu.memory_space<vmem>>, vector<2000x64xf32>
    tpu.vector_store %arg4[%swap3A, %swap3A_20], %mul3A_19 {strides = array<i32>} : memref<2000x64xf32, #tpu.memory_space<vmem>>, vector<2000x64xf32>,
    return
  }
  func.func @transform_0(%arg0: i32) -> (i32, i32) {
    %c0_i32 = arith.constant 0 : i32
    %c0_i32_0 = arith.constant 0 : i32
    return %arg0, %c0_i32 : i32, i32
  }
  func.func @transform_1(%arg0: i32) -> (i32, i32) {
    %c0_i32 = arith.constant 0 : i32
    %c0_i32_0 = arith.constant 0 : i32
    %c0_i32_1 = arith.constant 0 : i32
    return %c0_i32, %c0_i32_0 : i32, i32
  }
  func.func @transform_2(%arg0: i32) -> (i32, i32, i32) {
    %c0_i32 = arith.constant 0 : i32
    %c0_i32_0 = arith.constant 0 : i32
    %c0_i32_1 = arith.constant 0 : i32
    return %c0_i32, %arg0, %c0_i32_0 : i32, i32, i32
  }
  func.func @transform_3(%arg0: i32) -> (i32, i32) {
    %c0_i32 = arith.constant 0 : i32
    %c0_i32_0 = arith.constant 0 : i32
    return %arg0, %c0_i32 : i32, i32
  }
}

module attributes {stable_mosaic.version = 14 : i64} {
  func.func @_tc2_body(%arg0: i32, %arg1: memref<2x2000x64xf32, #tpu.memory_space<vmem>>, %arg2: memref<2000x64xf32, #tpu.memory_space<vmem>>, %arg3: memref<2x2000x16xf32, #tpu.memory_space<vmem>>, %arg4: memref<1x64xf32, #tpu.memory_space<vmem>>, %arg5: memref<2000x64xf32, #tpu.memory_space<vmem>>) attributes {dimension_semantics = [#tpu.dimension_semantics<arbitrary>], iteration_bounds = array<i64: 5>, scalar_prefetch = 0 : i64, scratch_operands = 0 : i64, tpu.core_type = #tpu.core_type<tc>, window_params = [{transform_indices = @transform_0, window_bounds = array<i64: 2, 2000, 64>}, {transform_indices = @transform_1, window_bounds = array<i64: 2000, 64>}, {transform_indices = @transform_2, window_bounds = array<i64: 2, 2000, 16>}, {pipeline_mode = #tpu.pipeline_mode<synchronous>, transform_indices = @transform_3, window_bounds = array<i64: 1, 64>}, {transform_indices = @transform_4, window_bounds = array<i64: 2000, 64>}]} {
    %get3A = arith.constant 0 : index
    %get3A_0 = arith.constant 0 : index
    %get3A_1 = arith.constant 0 : index
    %get3A_2 = vector.load %arg3[%get3A, %get3A_0, %get3A_1] : memref<2x2000x16xf32, #tpu.memory_space<vmem>>, vector<1x2000x1xf32>
    %get3A_3 = vector.shape_cast %get3A_2 : vector<1x2000x1xf32> to vector<2000x1xf32>
    %get3A_4 = arith.constant 1 : index
    %get3A_5 = arith.constant 0 : index
    %get3A_6 = arith.constant 0 : index
    %get3A_7 = vector.load %arg3[%get3A_4, %get3A_5, %get3A_6] : memref<2x2000x16xf32, #tpu.memory_space<vmem>>, vector<1x2000x1xf32>
    %get3A_8 = vector.shape_cast %get3A_7 : vector<1x2000x1xf32> to vector<2000x1xf32>
    %add3A = arith.addf %get3A_3, %get3A_8 : vector<2000x1xf32>
    %add3A_9 = arith.constant 1.000000e+00 : f32
    %add3A_10 = vector.broadcast %add3A_9 : f32 to vector<2000x1xf32>
    %add3A_11 = arith.addf %add3A, %add3A_10 : vector<2000x1xf32>
    %rsqrt3A = math.rsqrt %add3A_11 : vector<2000x1xf32>
    %get3A_12 = arith.constant 0 : index
    %get3A_13 = arith.constant 0 : index
    %get3A_14 = arith.constant 0 : index
    %get3A_15 = vector.load %arg1[%get3A_12, %get3A_13, %get3A_14] : memref<2x2000x64xf32, #tpu.memory_space<vmem>>, vector<1x2000x64xf32>
    %get3A_16 = vector.shape_cast %get3A_15 : vector<1x2000x64xf32> to vector<2000x64xf32>
    %get3A_17 = arith.constant 1 : index
    %get3A_18 = arith.constant 0 : index
    %get3A_19 = arith.constant 0 : index
    %get3A_20 = vector.load %arg1[%get3A_17, %get3A_18, %get3A_19] : memref<2x2000x64xf32, #tpu.memory_space<vmem>>, vector<1x2000x64xf32>
    %get3A_21 = vector.shape_cast %get3A_20 : vector<1x2000x64xf32> to vector<2000x64xf32>
    %add3A_22 = arith.addf %get3A_16, %get3A_21 : vector<2000x64xf32>
    %get3A_23 = arith.constant 0 : index
    %get3A_24 = arith.constant 0 : index
    %get3A_25 = vector.load %arg2[%get3A_23, %get3A_24] : memref<2000x64xf32, #tpu.memory_space<vmem>>, vector<2000x64xf32>
    %add3A_26 = arith.addf %add3A_22, %get3A_25 : vector<2000x64xf32>
    %mul3A = vector.broadcast %rsqrt3A : vector<2000x1xf32> to vector<2000x64xf32>
    %mul3A_27 = arith.mulf %add3A_26, %mul3A : vector<2000x64xf32>
    %get3A_28 = arith.constant 0 : index
    %get3A_29 = arith.constant 0 : index
    %get3A_30 = vector.load %arg4[%get3A_28, %get3A_29] : memref<1x64xf32, #tpu.memory_space<vmem>>, vector<1x64xf32>
    %add3A_31 = vector.broadcast %get3A_30 : vector<1x64xf32> to vector<2000x64xf32>
    %add3A_32 = arith.addf %mul3A_27, %add3A_31 : vector<2000x64xf32>
    %max3A = arith.constant 0.000000e+00 : f32
    %max3A_33 = vector.broadcast %max3A : f32 to vector<2000x64xf32>
    %max3A_34 = arith.maximumf %add3A_32, %max3A_33 : vector<2000x64xf32>
    %mul3A_35 = vector.broadcast %rsqrt3A : vector<2000x1xf32> to vector<2000x64xf32>
    %mul3A_36 = arith.mulf %max3A_34, %mul3A_35 : vector<2000x64xf32>
    %swap3A = arith.constant 0 : index
    %swap3A_37 = arith.constant 0 : index
    %swap3A_38 = vector.load %arg5[%swap3A, %swap3A_37] : memref<2000x64xf32, #tpu.memory_space<vmem>>, vector<2000x64xf32>
    tpu.vector_store %arg5[%swap3A, %swap3A_37], %mul3A_36 {strides = array<i32>} : memref<2000x64xf32, #tpu.memory_space<vmem>>, vector<2000x64xf32>,
    return
  }
  func.func @transform_0(%arg0: i32) -> (i32, i32, i32) {
    %c0_i32 = arith.constant 0 : i32
    %c0_i32_0 = arith.constant 0 : i32
    %c0_i32_1 = arith.constant 0 : i32
    return %c0_i32, %arg0, %c0_i32_0 : i32, i32, i32
  }
  func.func @transform_1(%arg0: i32) -> (i32, i32) {
    %c0_i32 = arith.constant 0 : i32
    %c0_i32_0 = arith.constant 0 : i32
    return %arg0, %c0_i32 : i32, i32
  }
  func.func @transform_2(%arg0: i32) -> (i32, i32, i32) {
    %c0_i32 = arith.constant 0 : i32
    %c0_i32_0 = arith.constant 0 : i32
    %c0_i32_1 = arith.constant 0 : i32
    return %c0_i32, %arg0, %c0_i32_0 : i32, i32, i32
  }
  func.func @transform_3(%arg0: i32) -> (i32, i32) {
    %c0_i32 = arith.constant 0 : i32
    %c0_i32_0 = arith.constant 0 : i32
    %c0_i32_1 = arith.constant 0 : i32
    return %c0_i32, %c0_i32_0 : i32, i32
  }
  func.func @transform_4(%arg0: i32) -> (i32, i32) {
    %c0_i32 = arith.constant 0 : i32
    %c0_i32_0 = arith.constant 0 : i32
    return %arg0, %c0_i32 : i32, i32
  }
}

module attributes {stable_mosaic.version = 14 : i64} {
  func.func @_tc3_body(%arg0: i32, %arg1: memref<2x2000x64xf32, #tpu.memory_space<vmem>>, %arg2: memref<2000x64xf32, #tpu.memory_space<vmem>>, %arg3: memref<2x2000x16xf32, #tpu.memory_space<vmem>>, %arg4: memref<64x128xf32, #tpu.memory_space<vmem>>, %arg5: memref<1x128xf32, #tpu.memory_space<vmem>>, %arg6: memref<2000x128xf32, #tpu.memory_space<vmem>>) attributes {dimension_semantics = [#tpu.dimension_semantics<arbitrary>], iteration_bounds = array<i64: 5>, scalar_prefetch = 0 : i64, scratch_operands = 0 : i64, tpu.core_type = #tpu.core_type<tc>, window_params = [{transform_indices = @transform_0, window_bounds = array<i64: 2, 2000, 64>}, {transform_indices = @transform_1, window_bounds = array<i64: 2000, 64>}, {transform_indices = @transform_2, window_bounds = array<i64: 2, 2000, 16>}, {pipeline_mode = #tpu.pipeline_mode<synchronous>, transform_indices = @transform_3, window_bounds = array<i64: 64, 128>}, {pipeline_mode = #tpu.pipeline_mode<synchronous>, transform_indices = @transform_4, window_bounds = array<i64: 1, 128>}, {transform_indices = @transform_5, window_bounds = array<i64: 2000, 128>}]} {
    %get3A = arith.constant 0 : index
    %get3A_0 = arith.constant 0 : index
    %get3A_1 = arith.constant 0 : index
    %get3A_2 = vector.load %arg3[%get3A, %get3A_0, %get3A_1] : memref<2x2000x16xf32, #tpu.memory_space<vmem>>, vector<1x2000x1xf32>
    %get3A_3 = vector.shape_cast %get3A_2 : vector<1x2000x1xf32> to vector<2000x1xf32>
    %get3A_4 = arith.constant 1 : index
    %get3A_5 = arith.constant 0 : index
    %get3A_6 = arith.constant 0 : index
    %get3A_7 = vector.load %arg3[%get3A_4, %get3A_5, %get3A_6] : memref<2x2000x16xf32, #tpu.memory_space<vmem>>, vector<1x2000x1xf32>
    %get3A_8 = vector.shape_cast %get3A_7 : vector<1x2000x1xf32> to vector<2000x1xf32>
    %add3A = arith.addf %get3A_3, %get3A_8 : vector<2000x1xf32>
    %add3A_9 = arith.constant 1.000000e+00 : f32
    %add3A_10 = vector.broadcast %add3A_9 : f32 to vector<2000x1xf32>
    %add3A_11 = arith.addf %add3A, %add3A_10 : vector<2000x1xf32>
    %rsqrt3A = math.rsqrt %add3A_11 : vector<2000x1xf32>
    %get3A_12 = arith.constant 0 : index
    %get3A_13 = arith.constant 0 : index
    %get3A_14 = arith.constant 0 : index
    %get3A_15 = vector.load %arg1[%get3A_12, %get3A_13, %get3A_14] : memref<2x2000x64xf32, #tpu.memory_space<vmem>>, vector<1x2000x64xf32>
    %get3A_16 = vector.shape_cast %get3A_15 : vector<1x2000x64xf32> to vector<2000x64xf32>
    %get3A_17 = arith.constant 1 : index
    %get3A_18 = arith.constant 0 : index
    %get3A_19 = arith.constant 0 : index
    %get3A_20 = vector.load %arg1[%get3A_17, %get3A_18, %get3A_19] : memref<2x2000x64xf32, #tpu.memory_space<vmem>>, vector<1x2000x64xf32>
    %get3A_21 = vector.shape_cast %get3A_20 : vector<1x2000x64xf32> to vector<2000x64xf32>
    %add3A_22 = arith.addf %get3A_16, %get3A_21 : vector<2000x64xf32>
    %get3A_23 = arith.constant 0 : index
    %get3A_24 = arith.constant 0 : index
    %get3A_25 = vector.load %arg2[%get3A_23, %get3A_24] : memref<2000x64xf32, #tpu.memory_space<vmem>>, vector<2000x64xf32>
    %add3A_26 = arith.addf %add3A_22, %get3A_25 : vector<2000x64xf32>
    %mul3A = vector.broadcast %rsqrt3A : vector<2000x1xf32> to vector<2000x64xf32>
    %mul3A_27 = arith.mulf %add3A_26, %mul3A : vector<2000x64xf32>
    %get3A_28 = arith.constant 0 : index
    %get3A_29 = arith.constant 0 : index
    %get3A_30 = vector.load %arg4[%get3A_28, %get3A_29] : memref<64x128xf32, #tpu.memory_space<vmem>>, vector<64x128xf32>
    %dot_general3A = arith.constant dense<0.000000e+00> : vector<2000x128xf32>
    %dot_general3A_31 = tpu.matmul %mul3A_27, %get3A_30, %dot_general3A {dimension_numbers = #tpu.dot_dimension_numbers<[1], [0], [0], [1], [0, 0, 1, 1], [], []>, transpose_lhs_hint = false} : vector<2000x64xf32>, vector<64x128xf32>, vector<2000x128xf32> -> vector<2000x128xf32>
    %get3A_32 = arith.constant 0 : index
    %get3A_33 = arith.constant 0 : index
    %get3A_34 = vector.load %arg5[%get3A_32, %get3A_33] : memref<1x128xf32, #tpu.memory_space<vmem>>, vector<1x128xf32>
    %add3A_35 = vector.broadcast %get3A_34 : vector<1x128xf32> to vector<2000x128xf32>
    %add3A_36 = arith.addf %dot_general3A_31, %add3A_35 : vector<2000x128xf32>
    %swap3A = arith.constant 0 : index
    %swap3A_37 = arith.constant 0 : index
    %swap3A_38 = vector.load %arg6[%swap3A, %swap3A_37] : memref<2000x128xf32, #tpu.memory_space<vmem>>, vector<2000x128xf32>
    tpu.vector_store %arg6[%swap3A, %swap3A_37], %add3A_36 {strides = array<i32>} : memref<2000x128xf32, #tpu.memory_space<vmem>>, vector<2000x128xf32>,
    return
  }
  func.func @transform_0(%arg0: i32) -> (i32, i32, i32) {
    %c0_i32 = arith.constant 0 : i32
    %c0_i32_0 = arith.constant 0 : i32
    %c0_i32_1 = arith.constant 0 : i32
    return %c0_i32, %arg0, %c0_i32_0 : i32, i32, i32
  }
  func.func @transform_1(%arg0: i32) -> (i32, i32) {
    %c0_i32 = arith.constant 0 : i32
    %c0_i32_0 = arith.constant 0 : i32
    return %arg0, %c0_i32 : i32, i32
  }
  func.func @transform_2(%arg0: i32) -> (i32, i32, i32) {
    %c0_i32 = arith.constant 0 : i32
    %c0_i32_0 = arith.constant 0 : i32
    %c0_i32_1 = arith.constant 0 : i32
    return %c0_i32, %arg0, %c0_i32_0 : i32, i32, i32
  }
  func.func @transform_3(%arg0: i32) -> (i32, i32) {
    %c0_i32 = arith.constant 0 : i32
    %c0_i32_0 = arith.constant 0 : i32
    %c0_i32_1 = arith.constant 0 : i32
    return %c0_i32, %c0_i32_0 : i32, i32
  }
  func.func @transform_4(%arg0: i32) -> (i32, i32) {
    %c0_i32 = arith.constant 0 : i32
    %c0_i32_0 = arith.constant 0 : i32
    %c0_i32_1 = arith.constant 0 : i32
    return %c0_i32, %c0_i32_0 : i32, i32
  }
  func.func @transform_5(%arg0: i32) -> (i32, i32) {
    %c0_i32 = arith.constant 0 : i32
    %c0_i32_0 = arith.constant 0 : i32
    return %arg0, %c0_i32 : i32, i32
  }
}

</mosaic_0001>

<sc_bundles>
// kernel: kernel.11.cloned.1.call-start
scs
__scs_entry_jumppad:
0x0: {  	(pc) =	sbr.rel $0x88, $3  }
0x1: {  	(tag) =	ssettag $0x0;
	lr =	simm.s32 $0x1  }
0x2: {  	[smem:$0x3F9B] =	sst lr;
	_ =	strace $0xD0000000  }
0x3: {  	_ = 	snop  }
0x4: {  	_ = 	snop  }
0x5: {  	_ = 	snop  }
0x6: {  	_ = 	snop  }
0x7: {  	_ = 	snop  }
__scs_overlays_trampoline_lowered:
0x8: {  	[smem:$0x3FAA] =	sst s0  }
0x9: {  	[smem:$0x3FAB] =	sst s1  }
0xa: {  	[smem:$0x3FAC] =	sst s2  }
0xb: {  	[smem:$0x3FAD] =	sst s3  }
0xc: {  	[smem:$0x3FAE] =	sst s4  }
0xd: {  	[smem:$0x3FAF] =	sst s5  }
0xe: {  	[smem:$0x3FB0] =	sst s6  }
0xf: {  	[smem:$0x3FB1] =	sst s7  }
0x10: {  	[smem:$0x3FB2] =	sst s8  }
0x11: {  	[smem:$0x3FB3] =	sst s9;
	s0 =	simm.s32 @!p0 $0x0  }
0x12: {  	s1 =	sld [smem:$0x3F99];
	s0 =	simm.s32 @p0 $0x1  }
0x13: {  	[smem:$0x3FB4] =	sst s0;
	s0 =	simm.s32 @!p1 $0x0  }
0x14: {  	s2 =	sld [smem:$0x3F98];
	s0 =	simm.s32 @p1 $0x1  }
0x15: {  	[smem:$0x3FB5] =	sst s0;
	s0 =	simm.s32 @!p2 $0x0  }
0x16: {  	s3 =	sld [smem:$0x3FDB];
	s0 =	simm.s32 @p2 $0x1  }
0x17: {  	s4 =	simm.s32 $0x1BF5;
	[smem:$0x3FB7] =	sst s0  }
0x18: {  	s0 =	sld [smem:$0x3F9A];
	_ =	swait.ge [sflag:s4], $0x0  }
0x19: {  	s7 =	sld [smem:$0x3F9B]  }
0x1a: {  	s8 =	sadd.s32 $0xFFFFE003, lr  }
0x1b: {  	s9 =	sadd.s32 $0xFFFFFEF7, lr;
	s5 =	simm.s32 $0xFFFFFFFF;
	p2 =	slt.u32 s8, $0xFFFFF086  }
0x1c: {  	p1 =	slt.u32 s9, $0xF7A;
	s5 =	simm.s32 @!p2 $0x0  }
0x1d: {  	s5 =	simm.s32 @p1 $0x1;
	p0 =	seq.s32 s7, s2  }
0x1e: {  	s7 =	smul.u32 @!p0 $0xF7A, s2;
	p2 =	seq.s32 @!p0 s5, $0x0  }
0x1f: {  	s9 =	smul.u32 $0xF7A, s1;
	s8 =	simm.s32 @!p0 $0x1BF5;
	p2 =	por !p2, p0  }
0x20: {  	[sflag:s8] =	ssyncset.s32 @!p0 $0xFFFFF086;
	s6 =	sadd.s32 @!p0 s3, s7;
	s7 =	simm.s32 @!p0 $0x108  }
0x21: {  	s3 =	sadd.s32 s3, s9;
	s6 =	sadd.s32 @!p0 $0x88, s6;
	s7 =	simm.s32 @p2 $0x1082  }
0x22: {  	[simem:s7], [sflag:s8] =	dma.local @!p0 [hbm:s6], $0xF7A  }
0x23: {  	s9 =	sor.u32 $0xD0000000, s2;
	s6 =	simm.s32 $0x108;
	_ =	swait.ge @!p0 [sflag:s8], $0x0  }
0x24: {  	s3 =	sadd.s32 $0x88, s3;
	s6 =	simm.s32 @!p1 $0x1082;
	[sflag:s4] =	ssyncset.s32 $0xFFFFF086  }
0x25: {  	[simem:s6], [sflag:s4] =	dma.local [hbm:s3], $0xF7A  }
0x26: {  	[smem:$0x3F9B] =	sst s1;
	(tag) =	ssettag s2;
	_ =	strace s9  }
0x27: {  	s1 =	sld [smem:$0x3FAB]  }
0x28: {  	s2 =	sld [smem:$0x3FAC]  }
0x29: {  	s4 =	sld [smem:$0x3FAE]  }
0x2a: {  	p0 =	seq.s32 s5, $0x0;
	s5 =	sld [smem:$0x3FAF]  }
0x2b: {  	s6 =	sld [smem:$0x3FB0]  }
0x2c: {  	s7 =	sld [smem:$0x3FB1]  }
0x2d: {  	s3 =	simm.s32 $0x108;
	s8 =	sld [smem:$0x3FB2]  }
0x2e: {  	s3 =	simm.s32 @!p0 $0x1082;
	s9 =	sld [smem:$0x3FB3]  }
0x2f: {  	lr =	sadd.s32 s0, s3;
	s0 =	sld [smem:$0x3FAA]  }
0x30: {  	s3 =	sld [smem:$0x3FAD]  }
0x31: {  	[smem:$0x3FB6] =	sst s10  }
0x32: {  	s10 =	sld [smem:$0x3FB4];
	_ =	sdelay $0x3  }
0x33: {  	p0 =	seq.s32 s10, $0x1;
	s10 =	sld [smem:$0x3FB6];
	_ =	sdelay $0x3  }
0x34: {  	[smem:$0x3FB6] =	sst s10  }
0x35: {  	s10 =	sld [smem:$0x3FB5];
	_ =	sdelay $0x3  }
0x36: {  	p1 =	seq.s32 s10, $0x1;
	s10 =	sld [smem:$0x3FB6];
	_ =	sdelay $0x3  }
0x37: {  	[smem:$0x3FB6] =	sst s10  }
0x38: {  	s10 =	sld [smem:$0x3FB7]  }
0x39: {  	_ = 	snop;
	(pc) =	sbr.ind lr, $3  }
0x3a: {  	_ = 	snop  }
0x3b: {  	_ = 	snop  }
0x3c: {  	p2 =	seq.s32 s10, $0x1;
	s10 =	sld [smem:$0x3FB6]  }
0x3d: {  	_ =	shalt  }
0x3e: {  	_ =	shalt  }
0x3f: {  	_ =	shalt  }
0x40: {  	_ =	shalt  }
0x41: {  	_ =	shalt  }
0x42: {  	_ =	shalt  }
0x43: {  	_ =	shalt  }
0x44: {  	_ =	shalt  }
0x45: {  	_ =	shalt  }
0x46: {  	_ =	shalt  }
0x47: {  	_ =	shalt  }
0x48: {  	_ =	shalt  }
0x49: {  	_ =	shalt  }
0x4a: {  	_ =	shalt  }
0x4b: {  	_ =	shalt  }
0x4c: {  	_ =	shalt  }
0x4d: {  	_ =	shalt  }
0x4e: {  	_ =	shalt  }
0x4f: {  	_ =	shalt  }
0x50: {  	_ =	shalt  }
0x51: {  	_ =	shalt  }
0x52: {  	_ =	shalt  }
0x53: {  	_ =	shalt  }
0x54: {  	_ =	shalt  }
0x55: {  	_ =	shalt  }
0x56: {  	_ =	shalt  }
0x57: {  	_ =	shalt  }
0x58: {  	_ =	shalt  }
0x59: {  	_ =	shalt  }
0x5a: {  	_ =	shalt  }
0x5b: {  	_ =	shalt  }
0x5c: {  	_ =	shalt  }
0x5d: {  	_ =	shalt  }
0x5e: {  	_ =	shalt  }
0x5f: {  	_ =	shalt  }
0x60: {  	_ =	shalt  }
0x61: {  	_ =	shalt  }
0x62: {  	_ =	shalt  }
0x63: {  	_ =	shalt  }
0x64: {  	_ =	shalt  }
0x65: {  	_ =	shalt  }
0x66: {  	_ =	shalt  }
0x67: {  	_ =	shalt  }
0x68: {  	_ =	shalt  }
0x69: {  	_ =	shalt  }
0x6a: {  	_ =	shalt  }
0x6b: {  	_ =	shalt  }
0x6c: {  	_ =	shalt  }
0x6d: {  	_ =	shalt  }
0x6e: {  	_ =	shalt  }
0x6f: {  	_ =	shalt  }
0x70: {  	_ =	shalt  }
0x71: {  	_ =	shalt  }
0x72: {  	_ =	shalt  }
0x73: {  	_ =	shalt  }
0x74: {  	_ =	shalt  }
0x75: {  	_ =	shalt  }
0x76: {  	_ =	shalt  }
0x77: {  	_ =	shalt  }
0x78: {  	_ =	shalt  }
0x79: {  	_ =	shalt  }
0x7a: {  	_ =	shalt  }
0x7b: {  	_ =	shalt  }
0x7c: {  	_ =	shalt  }
0x7d: {  	_ =	shalt  }
0x7e: {  	_ =	shalt  }
0x7f: {  	_ =	shalt  }
0x80: {  	_ =	shalt  }
0x81: {  	_ =	shalt  }
0x82: {  	_ =	shalt  }
0x83: {  	_ =	shalt  }
0x84: {  	_ =	shalt  }
0x85: {  	_ =	shalt  }
0x86: {  	_ =	shalt  }
0x87: {  	_ =	shalt  }
.Lfunc_end0:
.L_simem_size_0:
called_computation.1_lowered:
.L_overlay_start_0:
0x88: {  	s2 =	sld [smem:$0x3FD9]  }
0x89: {  	s3 =	sld [smem:$0x3FFE];
	_ =	sdelay $0x1  }
0x8a: {  	s1 =	srdreg.scid  }
0x8b: {  	s0 =	sand.u32 $0x1, s1  }
0x8c: {  	s16 =	sshll.u32 s0, $0xA;
	s2 =	sadd.s32 s3, s2  }
0x8d: {  	s2 =	sadd.s32 s2, s16  }
0x8e: {  	[smem:$0x3FC2] =	sst s2  }
0x8f: {  	_ = 	snop  }
0x90: {  	(tm) =	ssettm $0x1  }
0x91: {  	s17 =	sld [smem:$0x3FFB];
	_ =	sdelay $0x3  }
0x92: {  	_ =	strace s17  }
0x93: {  	s2 =	sld [smem:$0x3FFC];
	_ =	sdelay $0x3  }
0x94: {  	_ =	strace s2  }
0x95: {  	s2 =	sld [smem:$0x3FFD];
	_ =	sdelay $0x3  }
0x96: {  	_ =	strace s2  }
0x97: {  	_ =	strace $0x8FFFFFFF  }
0x98: {  	s18 =	sld [smem:$0x3FDB];
	_ =	sdelay $0x1  }
0x99: {  	s19 =	simm.s32 $_scs_section_size  }
0x9a: {  	s4 =	simm.s32 $_size__tile_overlayer_lowered;
	s5 =	simm.s32 $_tile_overlayer_lowered  }
0x9b: {  	s22 =	simm.s32 $0x1BFF;
	s21 =	sshll.u32 s5, $0x1;
	s2 =	sadd.s32 s19, s18  }
0x9c: {  	s6 =	simm.s32 $0x0;
	s20 =	sshll.u32 s4, $0x1;
	s4 =	sadd.s32 s21, s2  }
0x9d: {  	[timem:s6], [sflag:s22] =	dma.local [hbm:s4], s20  }
0x9e: {  	_ =	swait.ge [sflag:s22], s20  }
0x9f: {  	s3 =	ssub.s32 $0x0, s20;
	[sflag:s22] =	ssyncset.done $0x0  }
0xa0: {  	[sflag:s22] =	ssyncadd.s32 s3;
	_ =	sdelay $0x1  }
0xa1: {  	s23 =	simm.s32 $0x1B8B  }
0xa2: {  	_ =	swait.ge [sflag:s23], $0x1  }
0xa3: {  	[sflag:s23] =	ssyncset.done $0x0  }
0xa4: {  	s25 =	simm.s32 $0x1B8E;
	s24 =	sld [smem:$0x3FFE];
	[sflag:s23] =	ssyncadd.s32 $0xFFFFFFFF  }
0xa5: {  	s26 =	simm.s32 $execute0_lowered;
	[smem:$0x3FD2] =	sst s25  }
0xa6: {  	s4 =	sshll.u32 s26, $0x1;
	_ =	strace $0x80000049;
	[dreg:$0x1] =	wrdreg $0xFFFFFFFF  }
0xa7: {  	s28 =	simm.s32 $_size_execute0_lowered;
	s2 =	sadd.s32 s2, s4;
	[dreg:$0x0] =	wrdreg $0x0  }
0xa8: {  	s4 =	sshll.u32 s28, $0x1;
	[dreg:$0x2] =	wrdreg s2  }
0xa9: {  	[dreg:$0x3] =	wrdreg s4  }
0xaa: {  	[dreg:$0x4] =	wrdreg $0xC0  }
0xab: {  	_ =	task [dreg:s6], $0x5FFFF  }
0xac: {  	[dreg:$0x1] =	wrdreg $0xFFFFFFFF  }
0xad: {  	[dreg:$0x0] =	wrdreg $0x60  }
0xae: {  	[dreg:$0x2] =	wrdreg s24  }
0xaf: {  	[dreg:$0x3] =	wrdreg $0x14A00  }
0xb0: {  	[dreg:$0x4] =	wrdreg $0x9  }
0xb1: {  	_ =	task.clear_ibuf [dreg:s6], $0x5FFFF;
	_ =	strace $0x90000049  }
0xb2: {  	s29 =	simm.s32 $0x9;
	_ =	strace $0x8000004B  }
0xb3: {  	_ =	swait.ge [sflag:s29], $0x1  }
0xb4: {  	[sflag:s29] =	ssyncadd.s32 $0xFFFFFFFF  }
0xb5: {  	_ =	strace $0x9000004B  }
0xb6: {  	_ =	sfence  }
0xb7: {  	s30 =	sld [smem:$0x0];
	_ =	sdelay $0x2  }
0xb8: {  	s31 =	sshll.u32 s1, $0xD;
	s1 =	sshrl.u32 s1, $0x2  }
0xb9: {  	s3 =	sand.u32 $0x4000, s31;
	s1 =	sadd.s32 s1, s30  }
0xba: {  	s0 =	sor.u32 s3, s0;
	s1 =	sshll.u32 s1, $0x11  }
0xbb: {  	s0 =	sor.u32 s1, s0  }
0xbc: {  	s0 =	sadd.s32 $0x8F2B, s0  }
0xbd: {  	[sflag:s0] =	ssyncadd.remote.s32 $0x1  }
0xbe: {  	_ =	sfence.sel $0xFFFF  }
0xbf: {  	[dreg:$0x0] =	wrdreg $0xFFFFFFFF;
	(pc) =	sbr.abs _section_cstart, $3  }
0xc0: {  	[dreg:$0x1] =	wrdreg $0xFFFFFFFF  }
0xc1: {  	_ =	task.clear_ibuf [dreg:s6], $0x2FFFF;
	_ =	strace $0x9FFFFFFF  }
0xc2: {  	(tm) =	ssettm $0x7FFFFFFF  }
0xc3: {  	_ =	shalt  }
tec
execute0_lowered:
.L_overlay_start_1:
0x0: {  	(tag) =	ssettag $0x1  }
0x1: {  	s0 =	stileid.u32  }
0x2: {  	s1 =	srdreg.scid;
	s5 =	rddreg [dreg:$0x0]  }
0x3: {  	s2 =	rddreg [dreg:$0x1];
	s3 =	simm.s32 $0x0;
	s13 =	simm.s32 $0x50  }
0x4: {  	s14 =	simm.s32 $0xA0;
	s15 =	simm.s32 $0x1;
	s6 =	smul.u32 $0xA000, s0  }
0x5: {  	s7 =	sand.u32 $0x1, s1;
	s1 =	rddreg [dreg:$0x2];
	s9 =	smul.u32 $0x2710, s0  }
0x6: {  	s16 =	simm.s32 $0x0;
	[smem:$0x7FF] =	sst s3;
	s8 =	smul.u32 $0x27100, s7  }
0x7: {  	s4 =	sadd.s32 $0x63E00, s5;
	s31 =	sshll.u32 s0, $0x6;
	s10 =	smul.u32 $0xA0000, s7  }
0x8: {  	_ =	strace $0x8000004A;
	s7 =	ssub.s32 $0x2, s7;
	s11 =	sshrl.u32 s6, $0x3  }
0x9: {  	s29 =	sshrl.u32 s7, $0x1;
	s12 =	sadd.s32 s6, s2;
	s11 =	sadd.s32 s11, s5  }
0xa: {  	s8 =	sadd.s32 s9, s8;
	s25 =	sadd.s32 s6, s10;
	s30 =	ssub.s32 s7, s29  }
0xb: {  	s6 =	sor.u32 $0x1C02, s31;
	s8 =	sshrl.u32 s8, $0x3;
	s9 =	sshrl.u32 s25, $0x3  }
0xc: {  	s26 =	sadd.s32 s8, s5;
	s28 =	sadd.s32 s9, s5;
	s5 =	sadd.s32 $0x77800, s11  }
0xd: {  	s8 =	smax.u32 s30, $0x1;
	s11 =	sshrl.u32 s12, $0x3;
	s12 =	simm.s32 $0x2  }
0xe: {  	s7 =	sadd.s32 $0x8B800, s28;
	s9 =	sadd.s32 $0xBE00, s26;
	s10 =	sadd.s32 $0x2000, s26  }
.LBB2_1:
0xf: {  	[spmem:s11], [sflag:s6] =	dma.local [hbm:s5], $0x1400  }
0x10: {  	_ =	swait.ge [sflag:s12], $0x1400  }
0x11: {  	[sflag:s12] =	ssyncset.done $0x0  }
0x12: {  	[sflag:s12] =	ssyncadd.s32 $0xFFFFEC00  }
0x13: {  	s17 =	sadd.s32 $0x0, s10;
	[bflag:$0x0] =	sbarrier.arrive $0xFFFF  }
0x14: {  	[tilespmem:s3], [sflag:$0x2] =	stream.linear.gather [hbm4b:s17+s3], $0x50, $0x38;
	[tilespmem:$0xB4A0] =	vst v63  }
0x15: {  	_ =	swait.ge [sflag:s12], $0x50  }
0x16: {  	[sflag:s12] =	ssyncset.done $0x0  }
0x17: {  	[sflag:s12] =	ssyncadd.s32 $0xFFFFFFB0  }
0x18: {  	[tilespmem:s14], [sflag:$0x1] =	stream.indirect.gather [hbm4b:s4+s13], $0x40, s3, s13, $0xb8;
	[tilespmem:$0xB4A0] =	vst v63  }
0x19: {  	_ =	swait.ge [sflag:s15], $0x1400  }
0x1a: {  	[sflag:s15] =	ssyncset.done $0x0  }
0x1b: {  	s31 =	sadd.s32 $0x0, s9;
	[sflag:s15] =	ssyncadd.s32 $0xFFFFEC00  }
0x1c: {  	[tilespmem:s13], [sflag:$0x2] =	stream.linear.gather [hbm4b:s31+s3], $0x50, $0x38;
	[tilespmem:$0xB4A0] =	vst v63  }
0x1d: {  	_ =	swait.ge [sflag:s12], $0x50  }
0x1e: {  	[sflag:s12] =	ssyncset.done $0x0  }
0x1f: {  	[sflag:s12] =	ssyncadd.s32 $0xFFFFFFB0  }
0x20: {  	[spmem:s2] =	stream.indirect.scatter.add.f32 [tilespmem:s14], [sflag:$0x2], $0x40, s13, s13, $0xb8;
	[tilespmem:$0xB4A0] =	vst v63  }
0x21: {  	_ =	swait.ge [sflag:s12], $0x1400  }
0x22: {  	s18 =	simm.s32 $0x14;
	s17 =	simm.s32 $0xA;
	[sflag:s12] =	ssyncset.done $0x0  }
.LBB2_2:
0x23: {  	s19 =	sadd.s32 s17, s10  }
0x24: {  	[sflag:s12] =	ssyncadd.s32 $0xFFFFEC00;
	s20 =	smov.u32 s18;
	s21 =	sadd.s32 $0xA, s18  }
0x25: {  	[tilespmem:s3], [sflag:$0x2] =	stream.linear.gather [hbm4b:s19+s3], $0x50, $0x38;
	[tilespmem:$0xB4A0] =	vst v63  }
0x26: {  	p0 =	sne.s32 s18, $0x4D8;
	_ =	swait.ge [sflag:s12], $0x50  }
0x27: {  	[sflag:s12] =	ssyncset.done $0x0  }
0x28: {  	[sflag:s12] =	ssyncadd.s32 $0xFFFFFFB0  }
0x29: {  	[tilespmem:s14], [sflag:$0x1] =	stream.indirect.gather [hbm4b:s4+s13], $0x40, s3, s13, $0xb8;
	[tilespmem:$0xB4A0] =	vst v63  }
0x2a: {  	_ =	swait.ge [sflag:s15], $0x1400  }
0x2b: {  	[sflag:s15] =	ssyncset.done $0x0  }
0x2c: {  	s18 =	sadd.s32 s17, s9;
	s17 =	smov.u32 s20;
	[sflag:s15] =	ssyncadd.s32 $0xFFFFEC00  }
0x2d: {  	[tilespmem:s13], [sflag:$0x2] =	stream.linear.gather [hbm4b:s18+s3], $0x50, $0x38;
	[tilespmem:$0xB4A0] =	vst v63  }
0x2e: {  	_ =	swait.ge [sflag:s12], $0x50  }
.Ltmp0:
0x2f: {  	[sflag:s12] =	ssyncset.done $0x0;
	(pc) =	sbr.rel @p0 .LBB2_2-.Ltmp0, $4  }
0x30: {  	[sflag:s12] =	ssyncadd.s32 $0xFFFFFFB0  }
0x31: {  	[spmem:s2] =	stream.indirect.scatter.add.f32 [tilespmem:s14], [sflag:$0x2], $0x40, s13, s13, $0xb8;
	[tilespmem:$0xB4A0] =	vst v63  }
0x32: {  	_ =	swait.ge [sflag:s12], $0x1400  }
0x33: {  	s18 =	smov.u32 s21;
	[sflag:s12] =	ssyncset.done $0x0  }
0x34: {  	s18 =	sadd.s32 s17, s10;
	[sflag:s12] =	ssyncadd.s32 $0xFFFFEC00  }
0x35: {  	[tilespmem:s3], [sflag:$0x2] =	stream.linear.gather [hbm4b:s18+s3], $0x50, $0x38;
	[tilespmem:$0xB4A0] =	vst v63  }
0x36: {  	_ =	swait.ge [sflag:s12], $0x50  }
0x37: {  	[sflag:s12] =	ssyncset.done $0x0  }
0x38: {  	[sflag:s12] =	ssyncadd.s32 $0xFFFFFFB0  }
0x39: {  	[tilespmem:s14], [sflag:$0x1] =	stream.indirect.gather [hbm4b:s4+s13], $0x40, s3, s13, $0xb8;
	[tilespmem:$0xB4A0] =	vst v63  }
0x3a: {  	_ =	swait.ge [sflag:s15], $0x1400  }
0x3b: {  	[sflag:s15] =	ssyncset.done $0x0  }
0x3c: {  	s31 =	sadd.s32 s17, s9;
	[sflag:s15] =	ssyncadd.s32 $0xFFFFEC00  }
0x3d: {  	[tilespmem:s13], [sflag:$0x2] =	stream.linear.gather [hbm4b:s31+s3], $0x50, $0x38;
	[tilespmem:$0xB4A0] =	vst v63  }
0x3e: {  	_ =	swait.ge [sflag:s12], $0x50  }
0x3f: {  	[sflag:s12] =	ssyncset.done $0x0  }
0x40: {  	[sflag:s12] =	ssyncadd.s32 $0xFFFFFFB0  }
0x41: {  	[spmem:s2] =	stream.indirect.scatter.add.f32 [tilespmem:s14], [sflag:$0x2], $0x40, s13, s13, $0xb8;
	[tilespmem:$0xB4A0] =	vst v63  }
0x42: {  	_ =	swait.ge [sflag:s12], $0x1400  }
0x43: {  	s16 =	sadd.s32 $0x1, s16;
	[sflag:s12] =	ssyncset.done $0x0  }
0x44: {  	p0 =	sne.s32 s16, s8;
	[sflag:s12] =	ssyncadd.s32 $0xFFFFEC00  }
.Ltmp1:
0x45: {  	[bflag:$0x0] =	sbarrier.arrive $0xFFFF;
	(pc) =	sbr.rel @p0 .LBB2_1-.Ltmp1, $4  }
0x46: {  	[hbm:s7], [sflag:s6] =	dma.local [spmem:s11], $0x1400  }
0x47: {  	_ =	swait.ge [sflag:s12], $0x1400  }
0x48: {  	[sflag:s12] =	ssyncset.done $0x0  }
0x49: {  	[sflag:s12] =	ssyncadd.s32 $0xFFFFEC00  }
0x4a: {  	_ =	sfence.sel $0x180000  }
0x4b: {  	[bflag:$0x0] =	sbarrier.arrive $0xFFFF  }
0x4c: {  	p0 =	sne.s32 s0, $0x0;
	_ =	strace $0x9000004A  }
0x4d: {  	s0 =	sadd.s32 @!p0 $0x100000, s1;
	[bflag:$0x2] =	sbarrier.arrive $0xFFFF  }
0x4e: {  	[sflag:s0] =	ssyncadd.tile.s32 @!p0 $0x1;
	_ =	shalt  }
.Lfunc_end2:
_tile_overlayer_lowered:
.L_overlay_start_2:
0x4f: {  	(tag) =	ssettag $0x2  }
0x50: {  	s0 =	rddreg [dreg:$0x0];
	s2 =	stileid.u32  }
0x51: {  	s1 =	rddreg [dreg:$0x1];
	p0 =	sne.s32 s2, $0x0  }
0x52: {  	s3 =	rddreg [dreg:$0x2];
	[bflag:$0x3] =	sbarrier.arrive $0xFFFF;
	s2 =	simm.s32 @!p0 $0x1C02  }
0x53: {  	[timem:s3], [sflag:s2] =	dma.local @!p0 [hbm:s0], s1  }
0x54: {  	s0 =	simm.s32 @!p0 $0x2  }
0x55: {  	_ =	swait.ge @!p0 [sflag:s0], s1  }
0x56: {  	s1 =	ssub.s32 @!p0 $0x0, s1;
	[sflag:s0] =	ssyncset.done @!p0 $0x0  }
0x57: {  	[sflag:s0] =	ssyncadd.s32 @!p0 s1  }
0x58: {  	[bflag:$0x3] =	sbarrier.arrive $0xFFFF  }
0x59: {  	_ =	shalt  }

// kernel: kernel.14.cloned.1.call-start
scs
__scs_entry_jumppad:
0x0: {  	(pc) =	sbr.rel $0x88, $3  }
0x1: {  	(tag) =	ssettag $0x0;
	lr =	simm.s32 $0x1  }
0x2: {  	[smem:$0x3F9B] =	sst lr;
	_ =	strace $0xD0000000  }
0x3: {  	_ = 	snop  }
0x4: {  	_ = 	snop  }
0x5: {  	_ = 	snop  }
0x6: {  	_ = 	snop  }
0x7: {  	_ = 	snop  }
__scs_overlays_trampoline_lowered:
0x8: {  	[smem:$0x3FAA] =	sst s0  }
0x9: {  	[smem:$0x3FAB] =	sst s1  }
0xa: {  	[smem:$0x3FAC] =	sst s2  }
0xb: {  	[smem:$0x3FAD] =	sst s3  }
0xc: {  	[smem:$0x3FAE] =	sst s4  }
0xd: {  	[smem:$0x3FAF] =	sst s5  }
0xe: {  	[smem:$0x3FB0] =	sst s6  }
0xf: {  	[smem:$0x3FB1] =	sst s7  }
0x10: {  	[smem:$0x3FB2] =	sst s8  }
0x11: {  	[smem:$0x3FB3] =	sst s9;
	s0 =	simm.s32 @!p0 $0x0  }
0x12: {  	s1 =	sld [smem:$0x3F99];
	s0 =	simm.s32 @p0 $0x1  }
0x13: {  	[smem:$0x3FB4] =	sst s0;
	s0 =	simm.s32 @!p1 $0x0  }
0x14: {  	s2 =	sld [smem:$0x3F98];
	s0 =	simm.s32 @p1 $0x1  }
0x15: {  	[smem:$0x3FB5] =	sst s0;
	s0 =	simm.s32 @!p2 $0x0  }
0x16: {  	s3 =	sld [smem:$0x3FDB];
	s0 =	simm.s32 @p2 $0x1  }
0x17: {  	s4 =	simm.s32 $0x1BF5;
	[smem:$0x3FB7] =	sst s0  }
0x18: {  	s0 =	sld [smem:$0x3F9A];
	_ =	swait.ge [sflag:s4], $0x0  }
0x19: {  	s7 =	sld [smem:$0x3F9B]  }
0x1a: {  	s8 =	sadd.s32 $0xFFFFE003, lr  }
0x1b: {  	s9 =	sadd.s32 $0xFFFFFEF7, lr;
	s5 =	simm.s32 $0xFFFFFFFF;
	p2 =	slt.u32 s8, $0xFFFFF086  }
0x1c: {  	p1 =	slt.u32 s9, $0xF7A;
	s5 =	simm.s32 @!p2 $0x0  }
0x1d: {  	s5 =	simm.s32 @p1 $0x1;
	p0 =	seq.s32 s7, s2  }
0x1e: {  	s7 =	smul.u32 @!p0 $0xF7A, s2;
	p2 =	seq.s32 @!p0 s5, $0x0  }
0x1f: {  	s9 =	smul.u32 $0xF7A, s1;
	s8 =	simm.s32 @!p0 $0x1BF5;
	p2 =	por !p2, p0  }
0x20: {  	[sflag:s8] =	ssyncset.s32 @!p0 $0xFFFFF086;
	s6 =	sadd.s32 @!p0 s3, s7;
	s7 =	simm.s32 @!p0 $0x108  }
0x21: {  	s3 =	sadd.s32 s3, s9;
	s6 =	sadd.s32 @!p0 $0x88, s6;
	s7 =	simm.s32 @p2 $0x1082  }
0x22: {  	[simem:s7], [sflag:s8] =	dma.local @!p0 [hbm:s6], $0xF7A  }
0x23: {  	s9 =	sor.u32 $0xD0000000, s2;
	s6 =	simm.s32 $0x108;
	_ =	swait.ge @!p0 [sflag:s8], $0x0  }
0x24: {  	s3 =	sadd.s32 $0x88, s3;
	s6 =	simm.s32 @!p1 $0x1082;
	[sflag:s4] =	ssyncset.s32 $0xFFFFF086  }
0x25: {  	[simem:s6], [sflag:s4] =	dma.local [hbm:s3], $0xF7A  }
0x26: {  	[smem:$0x3F9B] =	sst s1;
	(tag) =	ssettag s2;
	_ =	strace s9  }
0x27: {  	s1 =	sld [smem:$0x3FAB]  }
0x28: {  	s2 =	sld [smem:$0x3FAC]  }
0x29: {  	s4 =	sld [smem:$0x3FAE]  }
0x2a: {  	p0 =	seq.s32 s5, $0x0;
	s5 =	sld [smem:$0x3FAF]  }
0x2b: {  	s6 =	sld [smem:$0x3FB0]  }
0x2c: {  	s7 =	sld [smem:$0x3FB1]  }
0x2d: {  	s3 =	simm.s32 $0x108;
	s8 =	sld [smem:$0x3FB2]  }
0x2e: {  	s3 =	simm.s32 @!p0 $0x1082;
	s9 =	sld [smem:$0x3FB3]  }
0x2f: {  	lr =	sadd.s32 s0, s3;
	s0 =	sld [smem:$0x3FAA]  }
0x30: {  	s3 =	sld [smem:$0x3FAD]  }
0x31: {  	[smem:$0x3FB6] =	sst s10  }
0x32: {  	s10 =	sld [smem:$0x3FB4];
	_ =	sdelay $0x3  }
0x33: {  	p0 =	seq.s32 s10, $0x1;
	s10 =	sld [smem:$0x3FB6];
	_ =	sdelay $0x3  }
0x34: {  	[smem:$0x3FB6] =	sst s10  }
0x35: {  	s10 =	sld [smem:$0x3FB5];
	_ =	sdelay $0x3  }
0x36: {  	p1 =	seq.s32 s10, $0x1;
	s10 =	sld [smem:$0x3FB6];
	_ =	sdelay $0x3  }
0x37: {  	[smem:$0x3FB6] =	sst s10  }
0x38: {  	s10 =	sld [smem:$0x3FB7]  }
0x39: {  	_ = 	snop;
	(pc) =	sbr.ind lr, $3  }
0x3a: {  	_ = 	snop  }
0x3b: {  	_ = 	snop  }
0x3c: {  	p2 =	seq.s32 s10, $0x1;
	s10 =	sld [smem:$0x3FB6]  }
0x3d: {  	_ =	shalt  }
0x3e: {  	_ =	shalt  }
0x3f: {  	_ =	shalt  }
0x40: {  	_ =	shalt  }
0x41: {  	_ =	shalt  }
0x42: {  	_ =	shalt  }
0x43: {  	_ =	shalt  }
0x44: {  	_ =	shalt  }
0x45: {  	_ =	shalt  }
0x46: {  	_ =	shalt  }
0x47: {  	_ =	shalt  }
0x48: {  	_ =	shalt  }
0x49: {  	_ =	shalt  }
0x4a: {  	_ =	shalt  }
0x4b: {  	_ =	shalt  }
0x4c: {  	_ =	shalt  }
0x4d: {  	_ =	shalt  }
0x4e: {  	_ =	shalt  }
0x4f: {  	_ =	shalt  }
0x50: {  	_ =	shalt  }
0x51: {  	_ =	shalt  }
0x52: {  	_ =	shalt  }
0x53: {  	_ =	shalt  }
0x54: {  	_ =	shalt  }
0x55: {  	_ =	shalt  }
0x56: {  	_ =	shalt  }
0x57: {  	_ =	shalt  }
0x58: {  	_ =	shalt  }
0x59: {  	_ =	shalt  }
0x5a: {  	_ =	shalt  }
0x5b: {  	_ =	shalt  }
0x5c: {  	_ =	shalt  }
0x5d: {  	_ =	shalt  }
0x5e: {  	_ =	shalt  }
0x5f: {  	_ =	shalt  }
0x60: {  	_ =	shalt  }
0x61: {  	_ =	shalt  }
0x62: {  	_ =	shalt  }
0x63: {  	_ =	shalt  }
0x64: {  	_ =	shalt  }
0x65: {  	_ =	shalt  }
0x66: {  	_ =	shalt  }
0x67: {  	_ =	shalt  }
0x68: {  	_ =	shalt  }
0x69: {  	_ =	shalt  }
0x6a: {  	_ =	shalt  }
0x6b: {  	_ =	shalt  }
0x6c: {  	_ =	shalt  }
0x6d: {  	_ =	shalt  }
0x6e: {  	_ =	shalt  }
0x6f: {  	_ =	shalt  }
0x70: {  	_ =	shalt  }
0x71: {  	_ =	shalt  }
0x72: {  	_ =	shalt  }
0x73: {  	_ =	shalt  }
0x74: {  	_ =	shalt  }
0x75: {  	_ =	shalt  }
0x76: {  	_ =	shalt  }
0x77: {  	_ =	shalt  }
0x78: {  	_ =	shalt  }
0x79: {  	_ =	shalt  }
0x7a: {  	_ =	shalt  }
0x7b: {  	_ =	shalt  }
0x7c: {  	_ =	shalt  }
0x7d: {  	_ =	shalt  }
0x7e: {  	_ =	shalt  }
0x7f: {  	_ =	shalt  }
0x80: {  	_ =	shalt  }
0x81: {  	_ =	shalt  }
0x82: {  	_ =	shalt  }
0x83: {  	_ =	shalt  }
0x84: {  	_ =	shalt  }
0x85: {  	_ =	shalt  }
0x86: {  	_ =	shalt  }
0x87: {  	_ =	shalt  }
.Lfunc_end0:
.L_simem_size_0:
called_computation.2_lowered:
.L_overlay_start_0:
0x88: {  	s2 =	sld [smem:$0x3FD9]  }
0x89: {  	s3 =	sld [smem:$0x3FFE];
	_ =	sdelay $0x1  }
0x8a: {  	s1 =	srdreg.scid  }
0x8b: {  	s0 =	sand.u32 $0x1, s1  }
0x8c: {  	s17 =	sshll.u32 s0, $0xA;
	s2 =	sadd.s32 s3, s2  }
0x8d: {  	s2 =	sadd.s32 s2, s17  }
0x8e: {  	[smem:$0x3FC2] =	sst s2  }
0x8f: {  	_ = 	snop  }
0x90: {  	s2 =	sld [smem:$0x3FD0];
	(tm) =	ssettm $0x1  }
0x91: {  	s18 =	sld [smem:$0x3FFB];
	_ =	sdelay $0x3  }
0x92: {  	_ =	strace s18  }
0x93: {  	s3 =	sld [smem:$0x3FFC];
	_ =	sdelay $0x3  }
0x94: {  	_ =	strace s3  }
0x95: {  	s3 =	sld [smem:$0x3FFD];
	_ =	sdelay $0x3  }
0x96: {  	_ =	strace s3  }
0x97: {  	_ =	strace $0x8FFFFFFF  }
0x98: {  	s19 =	sld [smem:$0x3FDB];
	_ =	sdelay $0x1  }
0x99: {  	s4 =	simm.s32 $_scs_section_size  }
0x9a: {  	s5 =	simm.s32 $_size__tile_overlayer_lowered;
	s6 =	simm.s32 $_tile_overlayer_lowered  }
0x9b: {  	s22 =	simm.s32 $0x1BFF;
	s21 =	sshll.u32 s6, $0x1;
	s3 =	sadd.s32 s4, s19  }
0x9c: {  	s7 =	simm.s32 $0x0;
	s20 =	sshll.u32 s5, $0x1;
	s5 =	sadd.s32 s21, s3  }
0x9d: {  	[timem:s7], [sflag:s22] =	dma.local [hbm:s5], s20  }
0x9e: {  	_ =	swait.ge [sflag:s22], s20  }
0x9f: {  	s4 =	ssub.s32 $0x0, s20;
	[sflag:s22] =	ssyncset.done $0x0  }
0xa0: {  	[sflag:s22] =	ssyncadd.s32 s4;
	_ =	sdelay $0x1  }
0xa1: {  	s23 =	simm.s32 $0x1B8B  }
0xa2: {  	_ =	swait.ge [sflag:s23], $0x1  }
0xa3: {  	[sflag:s23] =	ssyncset.done $0x0  }
0xa4: {  	s25 =	simm.s32 $0x1B8E;
	s24 =	sld [smem:$0x3FFE];
	[sflag:s23] =	ssyncadd.s32 $0xFFFFFFFF  }
0xa5: {  	s26 =	simm.s32 $execute0_lowered;
	[smem:$0x3FD2] =	sst s25  }
0xa6: {  	s5 =	sshll.u32 s26, $0x1;
	_ =	strace $0x8000004C;
	[dreg:$0x1] =	wrdreg $0xFFFFFFFF  }
0xa7: {  	s28 =	simm.s32 $_size_execute0_lowered;
	s3 =	sadd.s32 s3, s5;
	[dreg:$0x0] =	wrdreg $0x0  }
0xa8: {  	s5 =	sshll.u32 s28, $0x1;
	[dreg:$0x2] =	wrdreg s3  }
0xa9: {  	[dreg:$0x3] =	wrdreg s5  }
0xaa: {  	[dreg:$0x4] =	wrdreg $0xC0  }
0xab: {  	_ =	task [dreg:s7], $0x5FFFF  }
0xac: {  	[dreg:$0x1] =	wrdreg $0xFFFFFFFF  }
0xad: {  	[dreg:$0x0] =	wrdreg $0x60  }
0xae: {  	[dreg:$0x2] =	wrdreg s2  }
0xaf: {  	[dreg:$0x3] =	wrdreg s24  }
0xb0: {  	[dreg:$0x4] =	wrdreg $0x14A00  }
0xb1: {  	[dreg:$0x5] =	wrdreg $0x9  }
0xb2: {  	_ =	task.clear_ibuf [dreg:s7], $0x6FFFF;
	_ =	strace $0x9000004C  }
0xb3: {  	s29 =	simm.s32 $0x9;
	_ =	strace $0x8000004E  }
0xb4: {  	_ =	swait.ge [sflag:s29], $0x1  }
0xb5: {  	[sflag:s29] =	ssyncadd.s32 $0xFFFFFFFF  }
0xb6: {  	_ =	strace $0x9000004E  }
0xb7: {  	_ =	sfence  }
0xb8: {  	s30 =	sld [smem:$0x0];
	_ =	sdelay $0x2  }
0xb9: {  	s31 =	sshll.u32 s1, $0xD;
	s1 =	sshrl.u32 s1, $0x2  }
0xba: {  	s3 =	sand.u32 $0x4000, s31;
	s1 =	sadd.s32 s1, s30  }
0xbb: {  	s0 =	sor.u32 s3, s0;
	s1 =	sshll.u32 s1, $0x11  }
0xbc: {  	s0 =	sor.u32 s1, s0  }
0xbd: {  	s0 =	sadd.s32 $0x8F2B, s0  }
0xbe: {  	[sflag:s0] =	ssyncadd.remote.s32 $0x1  }
0xbf: {  	_ =	sfence.sel $0xFFFF  }
0xc0: {  	[dreg:$0x0] =	wrdreg $0xFFFFFFFF;
	(pc) =	sbr.abs _section_cstart, $3  }
0xc1: {  	[dreg:$0x1] =	wrdreg $0xFFFFFFFF  }
0xc2: {  	_ =	task.clear_ibuf [dreg:s7], $0x2FFFF;
	_ =	strace $0x9FFFFFFF  }
0xc3: {  	(tm) =	ssettm $0x7FFFFFFF  }
tec
execute0_lowered:
.L_overlay_start_1:
0x0: {  	(tag) =	ssettag $0x1  }
0x1: {  	s1 =	rddreg [dreg:$0x0]  }
0x2: {  	s0 =	stileid.u32;
	s5 =	rddreg [dreg:$0x1]  }
0x3: {  	s2 =	srdreg.scid;
	s3 =	rddreg [dreg:$0x2];
	s4 =	simm.s32 $0x0  }
0x4: {  	s13 =	simm.s32 $0x50;
	s14 =	simm.s32 $0xA0;
	s6 =	smul.u32 $0xA000, s0  }
0x5: {  	s15 =	simm.s32 $0x1;
	s7 =	sand.u32 $0x1, s2;
	s9 =	smul.u32 $0x2710, s0  }
0x6: {  	s16 =	simm.s32 $0x0;
	s2 =	rddreg [dreg:$0x3];
	s8 =	smul.u32 $0x27100, s7  }
0x7: {  	[smem:$0x7FF] =	sst s4;
	s31 =	sshll.u32 s0, $0x6;
	s10 =	smul.u32 $0xA0000, s7  }
0x8: {  	_ =	strace $0x8000004D;
	s7 =	ssub.s32 $0x2, s7;
	s11 =	sshrl.u32 s6, $0x3  }
0x9: {  	s29 =	sshrl.u32 s7, $0x1;
	s12 =	sadd.s32 s6, s3;
	s11 =	sadd.s32 s11, s5  }
0xa: {  	s8 =	sadd.s32 s9, s8;
	s25 =	sadd.s32 s6, s10;
	s30 =	ssub.s32 s7, s29  }
0xb: {  	s6 =	sor.u32 $0x1C02, s31;
	s8 =	sshrl.u32 s8, $0x3;
	s9 =	sshrl.u32 s25, $0x3  }
0xc: {  	s26 =	sadd.s32 s8, s5;
	s28 =	sadd.s32 s9, s5;
	s5 =	sadd.s32 $0x77800, s11  }
0xd: {  	s8 =	smax.u32 s30, $0x1;
	s11 =	sshrl.u32 s12, $0x3;
	s12 =	simm.s32 $0x2  }
0xe: {  	s7 =	sadd.s32 $0x8B800, s28;
	s9 =	sadd.s32 $0xBE00, s26;
	s10 =	sadd.s32 $0x2000, s26  }
.LBB2_1:
0xf: {  	[spmem:s11], [sflag:s6] =	dma.local [hbm:s5], $0x1400  }
0x10: {  	_ =	swait.ge [sflag:s12], $0x1400  }
0x11: {  	[sflag:s12] =	ssyncset.done $0x0  }
0x12: {  	[sflag:s12] =	ssyncadd.s32 $0xFFFFEC00  }
0x13: {  	s17 =	sadd.s32 $0x0, s10;
	[bflag:$0x0] =	sbarrier.arrive $0xFFFF  }
0x14: {  	[tilespmem:s4], [sflag:$0x2] =	stream.linear.gather [hbm4b:s17+s4], $0x50, $0x38;
	[tilespmem:$0xB4A0] =	vst v63  }
0x15: {  	_ =	swait.ge [sflag:s12], $0x50  }
0x16: {  	[sflag:s12] =	ssyncset.done $0x0  }
0x17: {  	[sflag:s12] =	ssyncadd.s32 $0xFFFFFFB0  }
0x18: {  	[tilespmem:s14], [sflag:$0x1] =	stream.indirect.gather [hbm4b:s1+s13], $0x40, s4, s13, $0xb8;
	[tilespmem:$0xB4A0] =	vst v63  }
0x19: {  	_ =	swait.ge [sflag:s15], $0x1400  }
0x1a: {  	[sflag:s15] =	ssyncset.done $0x0  }
0x1b: {  	s31 =	sadd.s32 $0x0, s9;
	[sflag:s15] =	ssyncadd.s32 $0xFFFFEC00  }
0x1c: {  	[tilespmem:s13], [sflag:$0x2] =	stream.linear.gather [hbm4b:s31+s4], $0x50, $0x38;
	[tilespmem:$0xB4A0] =	vst v63  }
0x1d: {  	_ =	swait.ge [sflag:s12], $0x50  }
0x1e: {  	[sflag:s12] =	ssyncset.done $0x0  }
0x1f: {  	[sflag:s12] =	ssyncadd.s32 $0xFFFFFFB0  }
0x20: {  	[spmem:s3] =	stream.indirect.scatter.add.f32 [tilespmem:s14], [sflag:$0x2], $0x40, s13, s13, $0xb8;
	[tilespmem:$0xB4A0] =	vst v63  }
0x21: {  	_ =	swait.ge [sflag:s12], $0x1400  }
0x22: {  	s18 =	simm.s32 $0x14;
	s17 =	simm.s32 $0xA;
	[sflag:s12] =	ssyncset.done $0x0  }
.LBB2_2:
0x23: {  	s19 =	sadd.s32 s17, s10  }
0x24: {  	[sflag:s12] =	ssyncadd.s32 $0xFFFFEC00;
	s20 =	smov.u32 s18;
	s21 =	sadd.s32 $0xA, s18  }
0x25: {  	[tilespmem:s4], [sflag:$0x2] =	stream.linear.gather [hbm4b:s19+s4], $0x50, $0x38;
	[tilespmem:$0xB4A0] =	vst v63  }
0x26: {  	p0 =	sne.s32 s18, $0x4D8;
	_ =	swait.ge [sflag:s12], $0x50  }
0x27: {  	[sflag:s12] =	ssyncset.done $0x0  }
0x28: {  	[sflag:s12] =	ssyncadd.s32 $0xFFFFFFB0  }
0x29: {  	[tilespmem:s14], [sflag:$0x1] =	stream.indirect.gather [hbm4b:s1+s13], $0x40, s4, s13, $0xb8;
	[tilespmem:$0xB4A0] =	vst v63  }
0x2a: {  	_ =	swait.ge [sflag:s15], $0x1400  }
0x2b: {  	[sflag:s15] =	ssyncset.done $0x0  }
0x2c: {  	s18 =	sadd.s32 s17, s9;
	s17 =	smov.u32 s20;
	[sflag:s15] =	ssyncadd.s32 $0xFFFFEC00  }
0x2d: {  	[tilespmem:s13], [sflag:$0x2] =	stream.linear.gather [hbm4b:s18+s4], $0x50, $0x38;
	[tilespmem:$0xB4A0] =	vst v63  }
0x2e: {  	_ =	swait.ge [sflag:s12], $0x50  }
.Ltmp0:
0x2f: {  	[sflag:s12] =	ssyncset.done $0x0;
	(pc) =	sbr.rel @p0 .LBB2_2-.Ltmp0, $4  }
0x30: {  	[sflag:s12] =	ssyncadd.s32 $0xFFFFFFB0  }
0x31: {  	[spmem:s3] =	stream.indirect.scatter.add.f32 [tilespmem:s14], [sflag:$0x2], $0x40, s13, s13, $0xb8;
	[tilespmem:$0xB4A0] =	vst v63  }
0x32: {  	_ =	swait.ge [sflag:s12], $0x1400  }
0x33: {  	s18 =	smov.u32 s21;
	[sflag:s12] =	ssyncset.done $0x0  }
0x34: {  	s18 =	sadd.s32 s17, s10;
	[sflag:s12] =	ssyncadd.s32 $0xFFFFEC00  }
0x35: {  	[tilespmem:s4], [sflag:$0x2] =	stream.linear.gather [hbm4b:s18+s4], $0x50, $0x38;
	[tilespmem:$0xB4A0] =	vst v63  }
0x36: {  	_ =	swait.ge [sflag:s12], $0x50  }
0x37: {  	[sflag:s12] =	ssyncset.done $0x0  }
0x38: {  	[sflag:s12] =	ssyncadd.s32 $0xFFFFFFB0  }
0x39: {  	[tilespmem:s14], [sflag:$0x1] =	stream.indirect.gather [hbm4b:s1+s13], $0x40, s4, s13, $0xb8;
	[tilespmem:$0xB4A0] =	vst v63  }
0x3a: {  	_ =	swait.ge [sflag:s15], $0x1400  }
0x3b: {  	[sflag:s15] =	ssyncset.done $0x0  }
0x3c: {  	s31 =	sadd.s32 s17, s9;
	[sflag:s15] =	ssyncadd.s32 $0xFFFFEC00  }
0x3d: {  	[tilespmem:s13], [sflag:$0x2] =	stream.linear.gather [hbm4b:s31+s4], $0x50, $0x38;
	[tilespmem:$0xB4A0] =	vst v63  }
0x3e: {  	_ =	swait.ge [sflag:s12], $0x50  }
0x3f: {  	[sflag:s12] =	ssyncset.done $0x0  }
0x40: {  	[sflag:s12] =	ssyncadd.s32 $0xFFFFFFB0  }
0x41: {  	[spmem:s3] =	stream.indirect.scatter.add.f32 [tilespmem:s14], [sflag:$0x2], $0x40, s13, s13, $0xb8;
	[tilespmem:$0xB4A0] =	vst v63  }
0x42: {  	_ =	swait.ge [sflag:s12], $0x1400  }
0x43: {  	s16 =	sadd.s32 $0x1, s16;
	[sflag:s12] =	ssyncset.done $0x0  }
0x44: {  	p0 =	sne.s32 s16, s8;
	[sflag:s12] =	ssyncadd.s32 $0xFFFFEC00  }
.Ltmp1:
0x45: {  	[bflag:$0x0] =	sbarrier.arrive $0xFFFF;
	(pc) =	sbr.rel @p0 .LBB2_1-.Ltmp1, $4  }
0x46: {  	[hbm:s7], [sflag:s6] =	dma.local [spmem:s11], $0x1400  }
0x47: {  	_ =	swait.ge [sflag:s12], $0x1400  }
0x48: {  	[sflag:s12] =	ssyncset.done $0x0  }
0x49: {  	[sflag:s12] =	ssyncadd.s32 $0xFFFFEC00  }
0x4a: {  	_ =	sfence.sel $0x180000  }
0x4b: {  	[bflag:$0x0] =	sbarrier.arrive $0xFFFF  }
0x4c: {  	p0 =	sne.s32 s0, $0x0;
	_ =	strace $0x9000004D  }
0x4d: {  	s0 =	sadd.s32 @!p0 $0x100000, s2;
	[bflag:$0x2] =	sbarrier.arrive $0xFFFF  }
0x4e: {  	[sflag:s0] =	ssyncadd.tile.s32 @!p0 $0x1;
	_ =	shalt  }
.Lfunc_end2:
_tile_overlayer_lowered:
.L_overlay_start_2:
0x4f: {  	(tag) =	ssettag $0x2  }
0x50: {  	s0 =	rddreg [dreg:$0x0];
	s2 =	stileid.u32  }
0x51: {  	s1 =	rddreg [dreg:$0x1];
	p0 =	sne.s32 s2, $0x0  }
0x52: {  	s3 =	rddreg [dreg:$0x2];
	[bflag:$0x3] =	sbarrier.arrive $0xFFFF;
	s2 =	simm.s32 @!p0 $0x1C02  }
0x53: {  	[timem:s3], [sflag:s2] =	dma.local @!p0 [hbm:s0], s1  }
0x54: {  	s0 =	simm.s32 @!p0 $0x2  }
0x55: {  	_ =	swait.ge @!p0 [sflag:s0], s1  }
0x56: {  	s1 =	ssub.s32 @!p0 $0x0, s1;
	[sflag:s0] =	ssyncset.done @!p0 $0x0  }
0x57: {  	[sflag:s0] =	ssyncadd.s32 @!p0 s1  }
0x58: {  	[bflag:$0x3] =	sbarrier.arrive $0xFFFF  }
0x59: {  	_ =	shalt  }

// kernel: kernel.8.cloned.1.call-start
scs
__scs_entry_jumppad:
0x0: {  	(pc) =	sbr.rel $0x88, $3  }
0x1: {  	(tag) =	ssettag $0x0;
	lr =	simm.s32 $0x1  }
0x2: {  	[smem:$0x3F9B] =	sst lr;
	_ =	strace $0xD0000000  }
0x3: {  	_ = 	snop  }
0x4: {  	_ = 	snop  }
0x5: {  	_ = 	snop  }
0x6: {  	_ = 	snop  }
0x7: {  	_ = 	snop  }
__scs_overlays_trampoline_lowered:
0x8: {  	[smem:$0x3FAA] =	sst s0  }
0x9: {  	[smem:$0x3FAB] =	sst s1  }
0xa: {  	[smem:$0x3FAC] =	sst s2  }
0xb: {  	[smem:$0x3FAD] =	sst s3  }
0xc: {  	[smem:$0x3FAE] =	sst s4  }
0xd: {  	[smem:$0x3FAF] =	sst s5  }
0xe: {  	[smem:$0x3FB0] =	sst s6  }
0xf: {  	[smem:$0x3FB1] =	sst s7  }
0x10: {  	[smem:$0x3FB2] =	sst s8  }
0x11: {  	[smem:$0x3FB3] =	sst s9;
	s0 =	simm.s32 @!p0 $0x0  }
0x12: {  	s1 =	sld [smem:$0x3F99];
	s0 =	simm.s32 @p0 $0x1  }
0x13: {  	[smem:$0x3FB4] =	sst s0;
	s0 =	simm.s32 @!p1 $0x0  }
0x14: {  	s2 =	sld [smem:$0x3F98];
	s0 =	simm.s32 @p1 $0x1  }
0x15: {  	[smem:$0x3FB5] =	sst s0;
	s0 =	simm.s32 @!p2 $0x0  }
0x16: {  	s3 =	sld [smem:$0x3FDB];
	s0 =	simm.s32 @p2 $0x1  }
0x17: {  	s4 =	simm.s32 $0x1BF5;
	[smem:$0x3FB7] =	sst s0  }
0x18: {  	s0 =	sld [smem:$0x3F9A];
	_ =	swait.ge [sflag:s4], $0x0  }
0x19: {  	s7 =	sld [smem:$0x3F9B]  }
0x1a: {  	s8 =	sadd.s32 $0xFFFFE003, lr  }
0x1b: {  	s9 =	sadd.s32 $0xFFFFFEF7, lr;
	s5 =	simm.s32 $0xFFFFFFFF;
	p2 =	slt.u32 s8, $0xFFFFF086  }
0x1c: {  	p1 =	slt.u32 s9, $0xF7A;
	s5 =	simm.s32 @!p2 $0x0  }
0x1d: {  	s5 =	simm.s32 @p1 $0x1;
	p0 =	seq.s32 s7, s2  }
0x1e: {  	s7 =	smul.u32 @!p0 $0xF7A, s2;
	p2 =	seq.s32 @!p0 s5, $0x0  }
0x1f: {  	s9 =	smul.u32 $0xF7A, s1;
	s8 =	simm.s32 @!p0 $0x1BF5;
	p2 =	por !p2, p0  }
0x20: {  	[sflag:s8] =	ssyncset.s32 @!p0 $0xFFFFF086;
	s6 =	sadd.s32 @!p0 s3, s7;
	s7 =	simm.s32 @!p0 $0x108  }
0x21: {  	s3 =	sadd.s32 s3, s9;
	s6 =	sadd.s32 @!p0 $0x88, s6;
	s7 =	simm.s32 @p2 $0x1082  }
0x22: {  	[simem:s7], [sflag:s8] =	dma.local @!p0 [hbm:s6], $0xF7A  }
0x23: {  	s9 =	sor.u32 $0xD0000000, s2;
	s6 =	simm.s32 $0x108;
	_ =	swait.ge @!p0 [sflag:s8], $0x0  }
0x24: {  	s3 =	sadd.s32 $0x88, s3;
	s6 =	simm.s32 @!p1 $0x1082;
	[sflag:s4] =	ssyncset.s32 $0xFFFFF086  }
0x25: {  	[simem:s6], [sflag:s4] =	dma.local [hbm:s3], $0xF7A  }
0x26: {  	[smem:$0x3F9B] =	sst s1;
	(tag) =	ssettag s2;
	_ =	strace s9  }
0x27: {  	s1 =	sld [smem:$0x3FAB]  }
0x28: {  	s2 =	sld [smem:$0x3FAC]  }
0x29: {  	s4 =	sld [smem:$0x3FAE]  }
0x2a: {  	p0 =	seq.s32 s5, $0x0;
	s5 =	sld [smem:$0x3FAF]  }
0x2b: {  	s6 =	sld [smem:$0x3FB0]  }
0x2c: {  	s7 =	sld [smem:$0x3FB1]  }
0x2d: {  	s3 =	simm.s32 $0x108;
	s8 =	sld [smem:$0x3FB2]  }
0x2e: {  	s3 =	simm.s32 @!p0 $0x1082;
	s9 =	sld [smem:$0x3FB3]  }
0x2f: {  	lr =	sadd.s32 s0, s3;
	s0 =	sld [smem:$0x3FAA]  }
0x30: {  	s3 =	sld [smem:$0x3FAD]  }
0x31: {  	[smem:$0x3FB6] =	sst s10  }
0x32: {  	s10 =	sld [smem:$0x3FB4];
	_ =	sdelay $0x3  }
0x33: {  	p0 =	seq.s32 s10, $0x1;
	s10 =	sld [smem:$0x3FB6];
	_ =	sdelay $0x3  }
0x34: {  	[smem:$0x3FB6] =	sst s10  }
0x35: {  	s10 =	sld [smem:$0x3FB5];
	_ =	sdelay $0x3  }
0x36: {  	p1 =	seq.s32 s10, $0x1;
	s10 =	sld [smem:$0x3FB6];
	_ =	sdelay $0x3  }
0x37: {  	[smem:$0x3FB6] =	sst s10  }
0x38: {  	s10 =	sld [smem:$0x3FB7]  }
0x39: {  	_ = 	snop;
	(pc) =	sbr.ind lr, $3  }
0x3a: {  	_ = 	snop  }
0x3b: {  	_ = 	snop  }
0x3c: {  	p2 =	seq.s32 s10, $0x1;
	s10 =	sld [smem:$0x3FB6]  }
0x3d: {  	_ =	shalt  }
0x3e: {  	_ =	shalt  }
0x3f: {  	_ =	shalt  }
0x40: {  	_ =	shalt  }
0x41: {  	_ =	shalt  }
0x42: {  	_ =	shalt  }
0x43: {  	_ =	shalt  }
0x44: {  	_ =	shalt  }
0x45: {  	_ =	shalt  }
0x46: {  	_ =	shalt  }
0x47: {  	_ =	shalt  }
0x48: {  	_ =	shalt  }
0x49: {  	_ =	shalt  }
0x4a: {  	_ =	shalt  }
0x4b: {  	_ =	shalt  }
0x4c: {  	_ =	shalt  }
0x4d: {  	_ =	shalt  }
0x4e: {  	_ =	shalt  }
0x4f: {  	_ =	shalt  }
0x50: {  	_ =	shalt  }
0x51: {  	_ =	shalt  }
0x52: {  	_ =	shalt  }
0x53: {  	_ =	shalt  }
0x54: {  	_ =	shalt  }
0x55: {  	_ =	shalt  }
0x56: {  	_ =	shalt  }
0x57: {  	_ =	shalt  }
0x58: {  	_ =	shalt  }
0x59: {  	_ =	shalt  }
0x5a: {  	_ =	shalt  }
0x5b: {  	_ =	shalt  }
0x5c: {  	_ =	shalt  }
0x5d: {  	_ =	shalt  }
0x5e: {  	_ =	shalt  }
0x5f: {  	_ =	shalt  }
0x60: {  	_ =	shalt  }
0x61: {  	_ =	shalt  }
0x62: {  	_ =	shalt  }
0x63: {  	_ =	shalt  }
0x64: {  	_ =	shalt  }
0x65: {  	_ =	shalt  }
0x66: {  	_ =	shalt  }
0x67: {  	_ =	shalt  }
0x68: {  	_ =	shalt  }
0x69: {  	_ =	shalt  }
0x6a: {  	_ =	shalt  }
0x6b: {  	_ =	shalt  }
0x6c: {  	_ =	shalt  }
0x6d: {  	_ =	shalt  }
0x6e: {  	_ =	shalt  }
0x6f: {  	_ =	shalt  }
0x70: {  	_ =	shalt  }
0x71: {  	_ =	shalt  }
0x72: {  	_ =	shalt  }
0x73: {  	_ =	shalt  }
0x74: {  	_ =	shalt  }
0x75: {  	_ =	shalt  }
0x76: {  	_ =	shalt  }
0x77: {  	_ =	shalt  }
0x78: {  	_ =	shalt  }
0x79: {  	_ =	shalt  }
0x7a: {  	_ =	shalt  }
0x7b: {  	_ =	shalt  }
0x7c: {  	_ =	shalt  }
0x7d: {  	_ =	shalt  }
0x7e: {  	_ =	shalt  }
0x7f: {  	_ =	shalt  }
0x80: {  	_ =	shalt  }
0x81: {  	_ =	shalt  }
0x82: {  	_ =	shalt  }
0x83: {  	_ =	shalt  }
0x84: {  	_ =	shalt  }
0x85: {  	_ =	shalt  }
0x86: {  	_ =	shalt  }
0x87: {  	_ =	shalt  }
.Lfunc_end0:
.L_simem_size_0:
called_computation_lowered:
.L_overlay_start_0:
0x88: {  	s2 =	sld [smem:$0x3FD9]  }
0x89: {  	s3 =	sld [smem:$0x3FFE];
	_ =	sdelay $0x1  }
0x8a: {  	s1 =	srdreg.scid  }
0x8b: {  	s0 =	sand.u32 $0x1, s1  }
0x8c: {  	s17 =	sshll.u32 s0, $0xA;
	s2 =	sadd.s32 s3, s2  }
0x8d: {  	s2 =	sadd.s32 s2, s17  }
0x8e: {  	[smem:$0x3FC2] =	sst s2  }
0x8f: {  	_ = 	snop  }
0x90: {  	s2 =	sld [smem:$0x3FD0];
	(tm) =	ssettm $0x1  }
0x91: {  	s18 =	sld [smem:$0x3FFB];
	_ =	sdelay $0x3  }
0x92: {  	_ =	strace s18  }
0x93: {  	s3 =	sld [smem:$0x3FFC];
	_ =	sdelay $0x3  }
0x94: {  	_ =	strace s3  }
0x95: {  	s3 =	sld [smem:$0x3FFD];
	_ =	sdelay $0x3  }
0x96: {  	_ =	strace s3  }
0x97: {  	_ =	strace $0x8FFFFFFF  }
0x98: {  	s19 =	sld [smem:$0x3FDB];
	_ =	sdelay $0x1  }
0x99: {  	s4 =	simm.s32 $_scs_section_size  }
0x9a: {  	s5 =	simm.s32 $_size__tile_overlayer_lowered;
	s6 =	simm.s32 $_tile_overlayer_lowered  }
0x9b: {  	s22 =	simm.s32 $0x1BFF;
	s21 =	sshll.u32 s6, $0x1;
	s3 =	sadd.s32 s4, s19  }
0x9c: {  	s7 =	simm.s32 $0x0;
	s20 =	sshll.u32 s5, $0x1;
	s5 =	sadd.s32 s21, s3  }
0x9d: {  	[timem:s7], [sflag:s22] =	dma.local [hbm:s5], s20  }
0x9e: {  	_ =	swait.ge [sflag:s22], s20  }
0x9f: {  	s4 =	ssub.s32 $0x0, s20;
	[sflag:s22] =	ssyncset.done $0x0  }
0xa0: {  	[sflag:s22] =	ssyncadd.s32 s4;
	_ =	sdelay $0x1  }
0xa1: {  	s23 =	simm.s32 $0x1B8B  }
0xa2: {  	_ =	swait.ge [sflag:s23], $0x1  }
0xa3: {  	[sflag:s23] =	ssyncset.done $0x0  }
0xa4: {  	s25 =	simm.s32 $0x1B8E;
	s24 =	sld [smem:$0x3FFE];
	[sflag:s23] =	ssyncadd.s32 $0xFFFFFFFF  }
0xa5: {  	s26 =	simm.s32 $execute0_lowered;
	[smem:$0x3FD2] =	sst s25  }
0xa6: {  	s5 =	sshll.u32 s26, $0x1;
	_ =	strace $0x80000046;
	[dreg:$0x1] =	wrdreg $0xFFFFFFFF  }
0xa7: {  	s28 =	simm.s32 $_size_execute0_lowered;
	s3 =	sadd.s32 s3, s5;
	[dreg:$0x0] =	wrdreg $0x0  }
0xa8: {  	s5 =	sshll.u32 s28, $0x1;
	[dreg:$0x2] =	wrdreg s3  }
0xa9: {  	[dreg:$0x3] =	wrdreg s5  }
0xaa: {  	[dreg:$0x4] =	wrdreg $0xC0  }
0xab: {  	_ =	task [dreg:s7], $0x5FFFF  }
0xac: {  	[dreg:$0x1] =	wrdreg $0xFFFFFFFF  }
0xad: {  	[dreg:$0x0] =	wrdreg $0x60  }
0xae: {  	[dreg:$0x2] =	wrdreg s24  }
0xaf: {  	[dreg:$0x3] =	wrdreg s2  }
0xb0: {  	[dreg:$0x4] =	wrdreg $0x5500  }
0xb1: {  	[dreg:$0x5] =	wrdreg $0x9  }
0xb2: {  	_ =	task.clear_ibuf [dreg:s7], $0x6FFFF;
	_ =	strace $0x90000046  }
0xb3: {  	s29 =	simm.s32 $0x9;
	_ =	strace $0x80000048  }
0xb4: {  	_ =	swait.ge [sflag:s29], $0x1  }
0xb5: {  	[sflag:s29] =	ssyncadd.s32 $0xFFFFFFFF  }
0xb6: {  	_ =	strace $0x90000048  }
0xb7: {  	_ =	sfence  }
0xb8: {  	s30 =	sld [smem:$0x0];
	_ =	sdelay $0x2  }
0xb9: {  	s31 =	sshll.u32 s1, $0xD;
	s1 =	sshrl.u32 s1, $0x2  }
0xba: {  	s3 =	sand.u32 $0x4000, s31;
	s1 =	sadd.s32 s1, s30  }
0xbb: {  	s0 =	sor.u32 s3, s0;
	s1 =	sshll.u32 s1, $0x11  }
0xbc: {  	s0 =	sor.u32 s1, s0  }
0xbd: {  	s0 =	sadd.s32 $0x8F2B, s0  }
0xbe: {  	[sflag:s0] =	ssyncadd.remote.s32 $0x1  }
0xbf: {  	_ =	sfence.sel $0xFFFF  }
0xc0: {  	[dreg:$0x0] =	wrdreg $0xFFFFFFFF;
	(pc) =	sbr.abs _section_cstart, $3  }
0xc1: {  	[dreg:$0x1] =	wrdreg $0xFFFFFFFF  }
0xc2: {  	_ =	task.clear_ibuf [dreg:s7], $0x2FFFF;
	_ =	strace $0x9FFFFFFF  }
0xc3: {  	(tm) =	ssettm $0x7FFFFFFF  }
tec
execute0_lowered:
.L_overlay_start_1:
0x0: {  	(tag) =	ssettag $0x1  }
0x1: {  	s5 =	rddreg [dreg:$0x0]  }
0x2: {  	s7 =	rddreg [dreg:$0x1]  }
0x3: {  	s0 =	stileid.u32;
	s1 =	srdreg.scid  }
0x4: {  	s2 =	rddreg [dreg:$0x2];
	s3 =	simm.s32 $0x0;
	s13 =	simm.s32 $0x50  }
0x5: {  	s6 =	smul.u32 $0x2800, s0;
	s8 =	sand.u32 $0x1, s1;
	s1 =	rddreg [dreg:$0x3]  }
0x6: {  	s14 =	simm.s32 $0x0;
	[smem:$0x7FF] =	sst s3;
	s10 =	smul.u32 $0x2710, s0  }
0x7: {  	s4 =	sadd.s32 $0x15C00, s5;
	s30 =	sshll.u32 s0, $0x6;
	s9 =	smul.u32 $0x27100, s8  }
0x8: {  	_ =	strace $0x80000047;
	s28 =	ssub.s32 $0x2, s8;
	s8 =	smul.u32 $0x28000, s8  }
0x9: {  	s11 =	sshrl.u32 s6, $0x3;
	s29 =	sshrl.u32 s28, $0x1;
	s12 =	sadd.s32 s6, s2  }
0xa: {  	s9 =	sadd.s32 s10, s9;
	s11 =	sadd.s32 s11, s5;
	s6 =	sadd.s32 s6, s8  }
0xb: {  	s10 =	ssub.s32 s28, s29;
	s9 =	sshrl.u32 s9, $0x3;
	s31 =	sshrl.u32 s6, $0x3  }
0xc: {  	s6 =	sor.u32 $0x1C01, s30;
	s8 =	smax.u32 s10, $0x1;
	s10 =	sshrl.u32 s12, $0x3  }
0xd: {  	s12 =	simm.s32 $0x500;
	s9 =	sadd.s32 s9, s5;
	s5 =	sadd.s32 $0x15E00, s11  }
0xe: {  	s7 =	sadd.s32 s7, s31;
	s11 =	simm.s32 $0x1;
	s9 =	sadd.s32 $0xBE00, s9  }
.LBB2_1:
0xf: {  	[spmem:s10], [sflag:s6] =	dma.local [hbm:s5], $0x500  }
0x10: {  	_ =	swait.ge [sflag:s11], $0x500  }
0x11: {  	[sflag:s11] =	ssyncset.done $0x0  }
0x12: {  	[sflag:s11] =	ssyncadd.s32 $0xFFFFFB00  }
0x13: {  	[tilespmem:s3], [sflag:$0x1] =	stream.linear.gather [hbm4b:s4+s3], $0x500, $0x38;
	[tilespmem:$0x2D50] =	vst v63  }
0x14: {  	_ =	swait.ge [sflag:s11], $0x500  }
0x15: {  	[sflag:s11] =	ssyncset.done $0x0  }
0x16: {  	[sflag:s11] =	ssyncadd.s32 $0xFFFFFB00  }
0x17: {  	s15 =	sadd.s32 $0x0, s9;
	[bflag:$0x0] =	sbarrier.arrive $0xFFFF  }
0x18: {  	[tilespmem:s12], [sflag:$0x1] =	stream.linear.gather [hbm4b:s15+s3], $0x50, $0x38;
	[tilespmem:$0x2D50] =	vst v63  }
0x19: {  	_ =	swait.ge [sflag:s11], $0x50  }
0x1a: {  	[sflag:s11] =	ssyncset.done $0x0  }
0x1b: {  	[sflag:s11] =	ssyncadd.s32 $0xFFFFFFB0  }
0x1c: {  	[spmem:s2] =	stream.indirect.scatter.add.f32 [tilespmem:s3], [sflag:$0x1], $0x10, s12, s13, $0xb8;
	[tilespmem:$0x2D50] =	vst v63  }
0x1d: {  	_ =	swait.ge [sflag:s11], $0x500  }
0x1e: {  	s16 =	simm.s32 $0x14;
	s15 =	simm.s32 $0xA;
	[sflag:s11] =	ssyncset.done $0x0  }
.LBB2_2:
0x1f: {  	s17 =	sadd.s32 s15, s9  }
0x20: {  	[sflag:s11] =	ssyncadd.s32 $0xFFFFFB00;
	s15 =	smov.u32 s16;
	s18 =	sadd.s32 $0xA, s16  }
0x21: {  	[tilespmem:s12], [sflag:$0x1] =	stream.linear.gather [hbm4b:s17+s3], $0x50, $0x38;
	[tilespmem:$0x2D50] =	vst v63  }
0x22: {  	p0 =	sne.s32 s16, $0x4D8;
	_ =	swait.ge [sflag:s11], $0x50  }
.Ltmp0:
0x23: {  	[sflag:s11] =	ssyncset.done $0x0;
	(pc) =	sbr.rel @p0 .LBB2_2-.Ltmp0, $4  }
0x24: {  	[sflag:s11] =	ssyncadd.s32 $0xFFFFFFB0  }
0x25: {  	[spmem:s2] =	stream.indirect.scatter.add.f32 [tilespmem:s3], [sflag:$0x1], $0x10, s12, s13, $0xb8;
	[tilespmem:$0x2D50] =	vst v63  }
0x26: {  	_ =	swait.ge [sflag:s11], $0x500  }
0x27: {  	s16 =	smov.u32 s18;
	[sflag:s11] =	ssyncset.done $0x0  }
0x28: {  	s15 =	sadd.s32 s15, s9;
	[sflag:s11] =	ssyncadd.s32 $0xFFFFFB00  }
0x29: {  	[tilespmem:s12], [sflag:$0x1] =	stream.linear.gather [hbm4b:s15+s3], $0x50, $0x38;
	[tilespmem:$0x2D50] =	vst v63  }
0x2a: {  	_ =	swait.ge [sflag:s11], $0x50  }
0x2b: {  	[sflag:s11] =	ssyncset.done $0x0  }
0x2c: {  	[sflag:s11] =	ssyncadd.s32 $0xFFFFFFB0  }
0x2d: {  	[spmem:s2] =	stream.indirect.scatter.add.f32 [tilespmem:s3], [sflag:$0x1], $0x10, s12, s13, $0xb8;
	[tilespmem:$0x2D50] =	vst v63  }
0x2e: {  	_ =	swait.ge [sflag:s11], $0x500  }
0x2f: {  	s14 =	sadd.s32 $0x1, s14;
	[sflag:s11] =	ssyncset.done $0x0  }
0x30: {  	p0 =	sne.s32 s14, s8;
	[sflag:s11] =	ssyncadd.s32 $0xFFFFFB00  }
.Ltmp1:
0x31: {  	[bflag:$0x0] =	sbarrier.arrive $0xFFFF;
	(pc) =	sbr.rel @p0 .LBB2_1-.Ltmp1, $4  }
0x32: {  	[hbm:s7], [sflag:s6] =	dma.local [spmem:s10], $0x500  }
0x33: {  	_ =	swait.ge [sflag:s11], $0x500  }
0x34: {  	[sflag:s11] =	ssyncset.done $0x0  }
0x35: {  	[sflag:s11] =	ssyncadd.s32 $0xFFFFFB00  }
0x36: {  	_ =	sfence.sel $0x180000  }
0x37: {  	[bflag:$0x0] =	sbarrier.arrive $0xFFFF  }
0x38: {  	p0 =	sne.s32 s0, $0x0;
	_ =	strace $0x90000047  }
0x39: {  	s0 =	sadd.s32 @!p0 $0x100000, s1;
	[bflag:$0x2] =	sbarrier.arrive $0xFFFF  }
0x3a: {  	[sflag:s0] =	ssyncadd.tile.s32 @!p0 $0x1;
	_ =	shalt  }
.Lfunc_end2:
_tile_overlayer_lowered:
.L_overlay_start_2:
0x3b: {  	(tag) =	ssettag $0x2  }
0x3c: {  	s0 =	rddreg [dreg:$0x0];
	s2 =	stileid.u32  }
0x3d: {  	s1 =	rddreg [dreg:$0x1];
	p0 =	sne.s32 s2, $0x0  }
0x3e: {  	s3 =	rddreg [dreg:$0x2];
	[bflag:$0x3] =	sbarrier.arrive $0xFFFF;
	s2 =	simm.s32 @!p0 $0x1C01  }
0x3f: {  	[timem:s3], [sflag:s2] =	dma.local @!p0 [hbm:s0], s1  }
0x40: {  	s0 =	simm.s32 @!p0 $0x1  }
0x41: {  	_ =	swait.ge @!p0 [sflag:s0], s1  }
0x42: {  	s1 =	ssub.s32 @!p0 $0x0, s1;
	[sflag:s0] =	ssyncset.done @!p0 $0x0  }
0x43: {  	[sflag:s0] =	ssyncadd.s32 @!p0 s1  }
0x44: {  	[bflag:$0x3] =	sbarrier.arrive $0xFFFF  }
0x45: {  	_ =	shalt  }

</sc_bundles>
